<compile_context>
chip_gen: v7x
topology: tpu7x:2x2x1
jax: 0.10.2.dev20260603
libtpu: 0.0.44.dev20260713+nightly
codegen_flags: <defaults>
</compile_context>

<pallas_src>
import functools

import jax
import jax.numpy as jnp
from jax import lax
from jax.experimental import pallas as pl
from jax.experimental.pallas import tpu as pltpu
from jax.experimental.pallas import tpu_sc as plsc

_N = 10000
_E = 160000
_F = 512
_CW = 128
_NCHUNK = _F // _CW
_B = 128
_NB = _E // _B
_NSUB = 16
_NCORE = 2
_NPAD = 10240
_SLAB = _NPAD // _NSUB

_mesh = plsc.VectorSubcoreMesh(core_axis_name="c", subcore_axis_name="s")


def _deg_body(dst_hbm, out_hbm,
              dstb0_v, dstb1_v, dstv0_v, dstv1_v, ones_v, acc_sh,
              isem0, isem1, ssem0, ssem1):
    cid = lax.axis_index("c")
    sid = lax.axis_index("s")
    nb = jnp.where(sid < 1, 40, 39)
    bstart = sid * 39 + jnp.minimum(sid, 1)

    sets = ((dstb0_v, dstv0_v, isem0, ssem0),
            (dstb1_v, dstv1_v, isem1, ssem1))

    for core_k in range(_NCORE):
        @pl.when(cid == core_k)
        def _core():
            gb0 = core_k * (_NB // 2) + bstart

            def _issue_idx(b, s):
                pltpu.async_copy(dst_hbm.at[gb0 + b], s[0], s[2])

            def _wait_scat(s):
                pltpu.make_async_copy(ones_v, acc_sh.at[s[1]], s[3]).wait()

            _issue_idx(0, sets[0])
            _issue_idx(1, sets[1])

            @pl.loop(0, _B)
            def _mk0(r):
                @pl.loop(0, _CW // 16)
                def _mk0i(i):
                    ones_v[r, pl.ds(i * 16, 16)] = jnp.zeros((16,), jnp.float32)

            @pl.loop(0, _SLAB // _B)
            def _z(t):
                pltpu.sync_copy(ones_v, acc_sh.at[pl.ds(sid * _SLAB + t * _B, _B)])
            plsc.subcore_barrier()

            @pl.loop(0, _B)
            def _mk1(r):
                @pl.loop(0, _CW // 16)
                def _mk1i(i):
                    ones_v[r, pl.ds(i * 16, 16)] = jnp.ones((16,), jnp.float32)

            def _step(b, s, ws_pred):
                pltpu.make_async_copy(dst_hbm.at[0], s[0], s[2]).wait()
                @pl.loop(0, _B // 16)
                def _d(i):
                    s[1][pl.ds(i * 16, 16)] = s[0][0, pl.ds(i * 16, 16)]
                if ws_pred is not None:
                    @pl.when(ws_pred)
                    def _ws():
                        _wait_scat(s)
                pltpu.async_copy(ones_v, acc_sh.at[s[1]], s[3], add=True)
                @pl.when(b + 2 < nb)
                def _ni():
                    _issue_idx(b + 2, s)

            @pl.loop(0, 19)
            def _acc(t):
                b0 = 2 * t
                _step(b0, sets[0], t > 0)
                _step(b0 + 1, sets[1], t > 0)

            _step(38, sets[0], jnp.bool_(True))
            @pl.when(nb > 39)
            def _tail():
                _step(39, sets[1], jnp.bool_(True))

            _wait_scat(sets[0])
            _wait_scat(sets[1])
            plsc.subcore_barrier()

            pltpu.sync_copy(acc_sh.at[pl.ds(sid * _SLAB, _SLAB)],
                            out_hbm.at[core_k, pl.ds(sid * _SLAB, _SLAB)])


@jax.jit
def _sc_degree(dst):
    dst3 = dst.reshape(_NB, 1, _B)
    return pl.kernel(
        _deg_body,
        out_type=jax.ShapeDtypeStruct((_NCORE, _NPAD, _CW), jnp.float32),
        mesh=_mesh,
        scratch_types=[
            pltpu.VMEM((1, _B), jnp.int32),
            pltpu.VMEM((1, _B), jnp.int32),
            pltpu.VMEM((_B,), jnp.int32),
            pltpu.VMEM((_B,), jnp.int32),
            pltpu.VMEM((_B, _CW), jnp.float32),
            pltpu.VMEM_SHARED((_NPAD, _CW), jnp.float32),
            pltpu.SemaphoreType.DMA,
            pltpu.SemaphoreType.DMA,
            pltpu.SemaphoreType.DMA,
            pltpu.SemaphoreType.DMA,
        ],
    )(dst3)


def _agg_body(cpc, p_hbm, edg_hbm, out_hbm,
              eb0_v, eb1_v,
              adj0_v, adj1_v, dstv0_v, dstv1_v,
              rows0_v, rows1_v, acc_sh,
              isem0, isem1, gsem0, gsem1, ssem0, ssem1):
    cid = lax.axis_index("c")
    sid = lax.axis_index("s")
    nb = jnp.where(sid < 2, 79, 78)
    bstart = sid * 78 + jnp.minimum(sid, 2)

    sets = ((eb0_v, adj0_v, dstv0_v, rows0_v, isem0, gsem0, ssem0),
            (eb1_v, adj1_v, dstv1_v, rows1_v, isem1, gsem1, ssem1))

    def _issue_idx(b, s):
        pltpu.async_copy(edg_hbm.at[bstart + b], s[0], s[4])

    def _wait_idx(s):
        pltpu.make_async_copy(edg_hbm.at[0], s[0], s[4]).wait()

    def _wait_scat(s):
        pltpu.make_async_copy(s[3], acc_sh.at[s[2]], s[6]).wait()

    for core_k in range(_NCORE):
        @pl.when(cid == core_k)
        def _core():
            for j in range(cpc):
                c = core_k * cpc + j
                roff = c * _N

                _issue_idx(0, sets[0])
                _issue_idx(1, sets[1])

                @pl.loop(0, _B)
                def _mk0(r):
                    @pl.loop(0, _CW // 16)
                    def _mk0i(i):
                        rows0_v[r, pl.ds(i * 16, 16)] = jnp.zeros((16,), jnp.float32)

                @pl.loop(0, _SLAB // _B)
                def _z(t):
                    pltpu.sync_copy(rows0_v, acc_sh.at[pl.ds(sid * _SLAB + t * _B, _B)])
                plsc.subcore_barrier()

                def _gather(b, s, ws_pred):
                    _wait_idx(s)
                    @pl.loop(0, _B // 16)
                    def _adj(i):
                        s[1][pl.ds(i * 16, 16)] = s[0][0, pl.ds(i * 16, 16)] + roff
                    if ws_pred is None:
                        _wait_scat(s)
                    else:
                        @pl.when(ws_pred)
                        def _ws():
                            _wait_scat(s)
                    pltpu.async_copy(p_hbm.at[s[1]], s[3], s[5])

                def _scatter(b, s):
                    pltpu.make_async_copy(p_hbm.at[s[1]], s[3], s[5]).wait()
                    @pl.loop(0, _B // 16)
                    def _d(i):
                        s[2][pl.ds(i * 16, 16)] = s[0][1, pl.ds(i * 16, 16)]
                    pltpu.async_copy(s[3], acc_sh.at[s[2]], s[6], add=True)
                    @pl.when(b + 2 < nb)
                    def _ni():
                        _issue_idx(b + 2, s)

                @pl.loop(0, 39)
                def _acc(t):
                    b0 = 2 * t
                    _gather(b0, sets[0], t > 0)
                    _gather(b0 + 1, sets[1], t > 0)
                    _scatter(b0, sets[0])
                    _scatter(b0 + 1, sets[1])

                @pl.when(nb > 78)
                def _tail():
                    _gather(78, sets[0], None)
                    _scatter(78, sets[0])

                _wait_scat(sets[0])
                _wait_scat(sets[1])
                plsc.subcore_barrier()

                pltpu.sync_copy(acc_sh.at[pl.ds(sid * _SLAB, _SLAB)],
                                out_hbm.at[c, pl.ds(sid * _SLAB, _SLAB)])


@functools.partial(jax.jit, static_argnums=(2,))
def _sc_aggregate(p_flat, edg, nchunk=_NCHUNK):
    return pl.kernel(
        functools.partial(_agg_body, nchunk // _NCORE),
        out_type=jax.ShapeDtypeStruct((nchunk, _NPAD, _CW), jnp.float32),
        mesh=_mesh,
        scratch_types=[
            pltpu.VMEM((2, _B), jnp.int32),
            pltpu.VMEM((2, _B), jnp.int32),
            pltpu.VMEM((_B,), jnp.int32),
            pltpu.VMEM((_B,), jnp.int32),
            pltpu.VMEM((_B,), jnp.int32),
            pltpu.VMEM((_B,), jnp.int32),
            pltpu.VMEM((_B, _CW), jnp.float32),
            pltpu.VMEM((_B, _CW), jnp.float32),
            pltpu.VMEM_SHARED((_NPAD, _CW), jnp.float32),
            pltpu.SemaphoreType.DMA,
            pltpu.SemaphoreType.DMA,
            pltpu.SemaphoreType.DMA,
            pltpu.SemaphoreType.DMA,
            pltpu.SemaphoreType.DMA,
            pltpu.SemaphoreType.DMA,
        ],
    )(p_flat, edg)


_MB = 2000


def _q_body(x_ref, wr_ref, b_ref, q_ref):
    q_ref[...] = lax.dot_general(x_ref[...], wr_ref[...],
                                 (((1,), (0,)), ((), ())),
                                 precision=lax.Precision.DEFAULT) + b_ref[...]


def _tc_q(x, wr, b_row):
    k = x.shape[1]
    return pl.pallas_call(
        _q_body,
        grid=(_N // _MB,),
        in_specs=[
            pl.BlockSpec((_MB, k), lambda i: (i, 0)),
            pl.BlockSpec((k, _F), lambda i: (0, 0)),
            pl.BlockSpec((1, _F), lambda i: (0, 0)),
        ],
        out_specs=pl.BlockSpec((_MB, _F), lambda i: (i, 0)),
        out_shape=jax.ShapeDtypeStruct((_N, _F), jnp.float32),
    )(x, wr, b_row)


_MBC = 1000


def _combine_h(agg_ref, deg_ref, q_ref):
    deg = deg_ref[0, :, 0] + deg_ref[1, :, 0]
    rdeg = 1.0 / jnp.maximum(deg, 1.0)
    hs = []
    for c in range(_NCHUNK):
        v = agg_ref[c] * rdeg[:, None] + q_ref[:, c * _CW:(c + 1) * _CW]
        hs.append(jnp.maximum(v, 0.0))
    return jnp.concatenate(hs, axis=1)


def _cmm_body(agg_ref, deg_ref, q_ref, wl_ref, wr_ref, b_ref, p_ref, q_out_ref):
    h = _combine_h(agg_ref, deg_ref, q_ref)
    for c in range(_NCHUNK):
        p_ref[c] = lax.dot_general(h, wl_ref[c], (((1,), (0,)), ((), ())),
                                   precision=lax.Precision.DEFAULT)
    q_out_ref[...] = lax.dot_general(h, wr_ref[...], (((1,), (0,)), ((), ())),
                                     precision=lax.Precision.DEFAULT) + b_ref[...]


def _tc_cmm(agg, deg2, q, wl_chunks, wr, b_row):
    return pl.pallas_call(
        _cmm_body,
        grid=(_N // _MBC,),
        in_specs=[
            pl.BlockSpec((_NCHUNK, _MBC, _CW), lambda i: (0, i, 0)),
            pl.BlockSpec((_NCORE, _MBC, _CW), lambda i: (0, i, 0)),
            pl.BlockSpec((_MBC, _F), lambda i: (i, 0)),
            pl.BlockSpec((_NCHUNK, _F, _CW), lambda i: (0, 0, 0)),
            pl.BlockSpec((_F, _F), lambda i: (0, 0)),
            pl.BlockSpec((1, _F), lambda i: (0, 0)),
        ],
        out_specs=[
            pl.BlockSpec((_NCHUNK, _MBC, _CW), lambda i: (0, i, 0)),
            pl.BlockSpec((_MBC, _F), lambda i: (i, 0)),
        ],
        out_shape=[
            jax.ShapeDtypeStruct((_NCHUNK, _N, _CW), jnp.float32),
            jax.ShapeDtypeStruct((_N, _F), jnp.float32),
        ],
    )(agg, deg2, q, wl_chunks, wr, b_row)


def _c1mm_body(aggx_ref, deg_ref, q_ref, wl1_ref, wl_ref, wr_ref, b_ref,
               p_ref, q_out_ref):
    deg = deg_ref[0, :, 0] + deg_ref[1, :, 0]
    rdeg = 1.0 / jnp.maximum(deg, 1.0)
    m = jnp.concatenate([aggx_ref[0], aggx_ref[1]], axis=1) * rdeg[:, None]
    h = lax.dot_general(m, wl1_ref[...], (((1,), (0,)), ((), ())),
                        precision=lax.Precision.DEFAULT) + q_ref[...]
    h = jnp.maximum(h, 0.0)
    for c in range(_NCHUNK):
        p_ref[c] = lax.dot_general(h, wl_ref[c], (((1,), (0,)), ((), ())),
                                   precision=lax.Precision.DEFAULT)
    q_out_ref[...] = lax.dot_general(h, wr_ref[...], (((1,), (0,)), ((), ())),
                                     precision=lax.Precision.DEFAULT) + b_ref[...]


def _tc_c1mm(aggx, deg2, q1, wl1, wl_chunks, wr, b_row):
    kin = wl1.shape[0]
    return pl.pallas_call(
        _c1mm_body,
        grid=(_N // _MBC,),
        in_specs=[
            pl.BlockSpec((2, _MBC, _CW), lambda i: (0, i, 0)),
            pl.BlockSpec((_NCORE, _MBC, _CW), lambda i: (0, i, 0)),
            pl.BlockSpec((_MBC, _F), lambda i: (i, 0)),
            pl.BlockSpec((kin, _F), lambda i: (0, 0)),
            pl.BlockSpec((_NCHUNK, _F, _CW), lambda i: (0, 0, 0)),
            pl.BlockSpec((_F, _F), lambda i: (0, 0)),
            pl.BlockSpec((1, _F), lambda i: (0, 0)),
        ],
        out_specs=[
            pl.BlockSpec((_NCHUNK, _MBC, _CW), lambda i: (0, i, 0)),
            pl.BlockSpec((_MBC, _F), lambda i: (i, 0)),
        ],
        out_shape=[
            jax.ShapeDtypeStruct((_NCHUNK, _N, _CW), jnp.float32),
            jax.ShapeDtypeStruct((_N, _F), jnp.float32),
        ],
    )(aggx, deg2, q1, wl1, wl_chunks, wr, b_row)


def _cfin_body(agg_ref, deg_ref, q_ref, w_ref, b_ref, o_ref):
    h = _combine_h(agg_ref, deg_ref, q_ref)
    o_ref[...] = lax.dot_general(h, w_ref[...], (((1,), (0,)), ((), ())),
                                 precision=lax.Precision.DEFAULT) + b_ref[...]


def _tc_cfin(agg, deg2, q, w, b_row):
    nclass = w.shape[1]
    return pl.pallas_call(
        _cfin_body,
        grid=(_N // _MBC,),
        in_specs=[
            pl.BlockSpec((_NCHUNK, _MBC, _CW), lambda i: (0, i, 0)),
            pl.BlockSpec((_NCORE, _MBC, _CW), lambda i: (0, i, 0)),
            pl.BlockSpec((_MBC, _F), lambda i: (i, 0)),
            pl.BlockSpec((_F, nclass), lambda i: (0, 0)),
            pl.BlockSpec((1, nclass), lambda i: (0, 0)),
        ],
        out_specs=pl.BlockSpec((_MBC, nclass), lambda i: (i, 0)),
        out_shape=jax.ShapeDtypeStruct((_N, nclass), jnp.float32),
    )(agg, deg2, q, w, b_row)


def kernel(x, edge_index, edge_attr,
           W_l1, W_r1, b1, W_l2, W_r2, b2, W_l3, W_r3, b3,
           W_l4, W_r4, b4, W_l5, W_r5, b5, W_lin, b_lin):
    dst = edge_index[1].astype(jnp.int32)
    edg = jnp.transpose(edge_index.astype(jnp.int32).reshape(2, _NB, _B),
                        (1, 0, 2))

    deg2 = _sc_degree(dst)

    def wlc(Wl):
        k = Wl.shape[0]
        return jnp.transpose(Wl.reshape(k, _NCHUNK, _CW), (1, 0, 2))

    x2 = jnp.transpose(x.reshape(_N, 2, _CW), (1, 0, 2)).reshape(2 * _N, _CW)
    aggx = _sc_aggregate(x2, edg, 2)
    q = _tc_q(x, W_r1, b1.reshape(1, _F))
    p4, q = _tc_c1mm(aggx, deg2, q, W_l1, wlc(W_l2), W_r2, b2.reshape(1, _F))
    agg = _sc_aggregate(p4.reshape(_NCHUNK * _N, _CW), edg)
    for Wl, Wr, b in ((W_l3, W_r3, b3), (W_l4, W_r4, b4), (W_l5, W_r5, b5)):
        p4, q = _tc_cmm(agg, deg2, q, wlc(Wl), Wr, b.reshape(1, _F))
        agg = _sc_aggregate(p4.reshape(_NCHUNK * _N, _CW), edg)

    return _tc_cfin(agg, deg2, q, W_lin, b_lin.reshape(1, W_lin.shape[1]))

# --- scband reference (transcript-rebuilt; emitter-appended) ---
"""Pipeline reference for scband-graph-sage-13786845020363 (READ-ONLY COPY).

The authoritative reference and input builder live on the scoring server;
editing this copy changes nothing except your own understanding.
"""

import jax, jax.numpy as jnp
import numpy as np

N_NODES = 10000
N_EDGES = 160000
NFEAT = 256
NHID = 512
NCLASS = 64


def _glorot(key, shape):
    fan_in, fan_out = shape[0], shape[1]
    lim = jnp.sqrt(6.0 / (fan_in + fan_out))
    return jax.random.uniform(key, shape, jnp.float32, -lim, lim)


def setup_inputs(seed: int = 0) -> dict:
    key = jax.random.key(seed)
    ks = jax.random.split(key, 32)
    inp = {}
    inp['x'] = jax.random.normal(ks[0], (N_NODES, NFEAT), jnp.float32)
    inp['edge_index'] = jax.random.randint(ks[1], (2, N_EDGES), 0, N_NODES, jnp.int64)
    inp['edge_attr'] = jax.random.normal(ks[2], (N_EDGES, 16), jnp.float32)
    dims = [(NFEAT, NHID), (NHID, NHID), (NHID, NHID), (NHID, NHID), (NHID, NHID)]
    for i, (din, dout) in enumerate(dims, start=1):
        inp[f'W_l{i}'] = _glorot(ks[3 * i], (din, dout))
        inp[f'W_r{i}'] = _glorot(ks[3 * i + 1], (din, dout))
        inp[f'b{i}'] = jnp.zeros((dout,), jnp.float32)
    inp['W_lin'] = _glorot(ks[30], (NHID, NCLASS))
    inp['b_lin'] = jnp.zeros((NCLASS,), jnp.float32)
    return inp


def _sage_conv(x, src, dst, Wl, Wr, b):
    # PyG SAGEConv (mean aggregation): out = lin_l(mean_{j->i} x_j) + lin_r(x_i)
    msgs = x[src]
    agg = jax.ops.segment_sum(msgs, dst, num_segments=N_NODES)
    deg = jax.ops.segment_sum(jnp.ones((src.shape[0],), jnp.float32), dst, num_segments=N_NODES)
    agg = agg / jnp.clip(deg, 1.0)[:, None]
    return agg @ Wl + b + x @ Wr


def reference(x, edge_index, edge_attr,
              W_l1, W_r1, b1, W_l2, W_r2, b2, W_l3, W_r3, b3,
              W_l4, W_r4, b4, W_l5, W_r5, b5, W_lin, b_lin):
    src = edge_index[0]
    dst = edge_index[1]
    h = jax.nn.relu(_sage_conv(x, src, dst, W_l1, W_r1, b1))
    h = jax.nn.relu(_sage_conv(h, src, dst, W_l2, W_r2, b2))
    h = jax.nn.relu(_sage_conv(h, src, dst, W_l3, W_r3, b3))
    h = jax.nn.relu(_sage_conv(h, src, dst, W_l4, W_r4, b4))
    h = jax.nn.relu(_sage_conv(h, src, dst, W_l5, W_r5, b5))
    return h @ W_lin + b_lin

if __name__ == "__main__":
    import jax
    _d = setup_inputs()
    print(jax.jit(kernel)(*tuple(_d.values())))

</pallas_src>

<mosaic_0001>
#map = affine_map<(d0, d1) -> (0, 0, 0)>
module attributes {stable_mosaic.version = 14 : i64} {
  func.func @_deg_body(%arg0: i32, %arg1: i32, %arg2: memref<1250x1x128xi32, #tpu.memory_space<hbm>>, %arg3: memref<2x10240x128xf32, #tpu.memory_space<hbm>>, %arg4: memref<1x128xi32, #tpu.memory_space<vmem>>, %arg5: memref<1x128xi32, #tpu.memory_space<vmem>>, %arg6: memref<128xi32, #tpu.memory_space<vmem>>, %arg7: memref<128xi32, #tpu.memory_space<vmem>>, %arg8: memref<128x128xf32, #tpu.memory_space<vmem>>, %arg9: memref<10240x128xf32, #tpu.memory_space<vmem_shared>>, %arg10: memref<!tpu.dma_semaphore, #tpu.memory_space<semaphore_mem>>, %arg11: memref<!tpu.dma_semaphore, #tpu.memory_space<semaphore_mem>>, %arg12: memref<!tpu.dma_semaphore, #tpu.memory_space<semaphore_mem>>, %arg13: memref<!tpu.dma_semaphore, #tpu.memory_space<semaphore_mem>>) attributes {dimension_semantics = [#tpu.dimension_semantics<core_parallel>, #tpu.dimension_semantics<subcore_parallel>], iteration_bounds = array<i64: 2, 16>, scalar_prefetch = 0 : i64, scratch_operands = 10 : i64, tpu.core_type = #tpu.core_type<sc_vector_subcore>, window_params = [{transform_indices = #map}, {transform_indices = #map}]} {
    %lt3A = arith.constant 1 : i32
    %lt3A_0 = arith.cmpi slt, %arg1, %lt3A : i32
    %jit3A = arith.constant 40 : i32
    %jit3A_1 = arith.constant 39 : i32
    %select_n3A = arith.select %lt3A_0, %jit3A, %jit3A_1 : i32
    %mul3A = arith.constant 39 : i32
    %mul3A_2 = arith.muli %arg1, %mul3A : i32
    %min3A = arith.constant 1 : i32
    %min3A_3 = arith.minsi %arg1, %min3A : i32
    %add3A = arith.addi %mul3A_2, %min3A_3 : i32
    %eq3A = arith.constant 0 : i32
    %eq3A_4 = arith.cmpi eq, %arg0, %eq3A : i32
    %convert_element_type3A = arith.extui %eq3A_4 : i1 to i32
    %cond3A = arith.constant 0 : i32
    %cond3A_5 = arith.cmpi ne, %convert_element_type3A, %cond3A : i32
    scf.if %cond3A_5 {
      %add3A_11 = arith.constant 0 : i32
      %add3A_12 = arith.addi %add3A_11, %add3A : i32
      %add3A_13 = arith.constant 0 : i32
      %add3A_14 = arith.addi %add3A_12, %add3A_13 : i32
      %dma_start3A = arith.constant 0 : i32
      %dma_start3A_15 = arith.constant 0 : i32
      %dma_start3A_16 = tpu.memref_slice %arg2[%add3A_14, %dma_start3A, %dma_start3A_15] : memref<1250x1x128xi32, #tpu.memory_space<hbm>> -> memref<1x1x128xi32, #tpu.memory_space<hbm>>
      %dma_start3A_17 = tpu.memref_squeeze %dma_start3A_16 : memref<1x1x128xi32, #tpu.memory_space<hbm>> -> memref<1x128xi32, #tpu.memory_space<hbm>>
      %dma_start3A_18 = arith.constant 0 : i32
      %dma_start3A_19 = arith.constant 0 : i32
      %dma_start3A_20 = tpu.memref_slice %arg2[%add3A_14, %dma_start3A_18, %dma_start3A_19] : memref<1250x1x128xi32, #tpu.memory_space<hbm>> -> memref<1x1x128xi32, #tpu.memory_space<hbm>>
      %dma_start3A_21 = tpu.memref_squeeze %dma_start3A_20 : memref<1x1x128xi32, #tpu.memory_space<hbm>> -> memref<1x128xi32, #tpu.memory_space<hbm>>
      tpu.enqueue_dma source(%dma_start3A_21 : memref<1x128xi32, #tpu.memory_space<hbm>>) target(%arg4 : memref<1x128xi32, #tpu.memory_space<vmem>>) target_semaphore(%arg10 : memref<!tpu.dma_semaphore, #tpu.memory_space<semaphore_mem>>)
      %add3A_22 = arith.constant 1 : i32
      %add3A_23 = arith.addi %add3A_12, %add3A_22 : i32
      %dma_start3A_24 = arith.constant 0 : i32
      %dma_start3A_25 = arith.constant 0 : i32
      %dma_start3A_26 = tpu.memref_slice %arg2[%add3A_23, %dma_start3A_24, %dma_start3A_25] : memref<1250x1x128xi32, #tpu.memory_space<hbm>> -> memref<1x1x128xi32, #tpu.memory_space<hbm>>
      %dma_start3A_27 = tpu.memref_squeeze %dma_start3A_26 : memref<1x1x128xi32, #tpu.memory_space<hbm>> -> memref<1x128xi32, #tpu.memory_space<hbm>>
      %dma_start3A_28 = arith.constant 0 : i32
      %dma_start3A_29 = arith.constant 0 : i32
      %dma_start3A_30 = tpu.memref_slice %arg2[%add3A_23, %dma_start3A_28, %dma_start3A_29] : memref<1250x1x128xi32, #tpu.memory_space<hbm>> -> memref<1x1x128xi32, #tpu.memory_space<hbm>>
      %dma_start3A_31 = tpu.memref_squeeze %dma_start3A_30 : memref<1x1x128xi32, #tpu.memory_space<hbm>> -> memref<1x128xi32, #tpu.memory_space<hbm>>
      tpu.enqueue_dma source(%dma_start3A_31 : memref<1x128xi32, #tpu.memory_space<hbm>>) target(%arg5 : memref<1x128xi32, #tpu.memory_space<vmem>>) target_semaphore(%arg11 : memref<!tpu.dma_semaphore, #tpu.memory_space<semaphore_mem>>)
      %scan3A = arith.constant 0 : i32
      %scan3A_32 = arith.constant 128 : i32
      %scan3A_33 = arith.addi %scan3A, %scan3A_32 : i32
      %scan3A_34 = arith.constant 1 : i32
      scf.for %scan3A_91 = %scan3A to %scan3A_33 step %scan3A_34  : i32 {
        %mul3A_92 = arith.constant 1 : i32
        %mul3A_93 = arith.muli %scan3A_91, %mul3A_92 : i32
        %add3A_94 = arith.constant 0 : i32
        %add3A_95 = arith.addi %add3A_94, %mul3A_93 : i32
        %scan3A_96 = arith.constant 0 : i32
        %scan3A_97 = arith.constant 8 : i32
        %scan3A_98 = arith.addi %scan3A_96, %scan3A_97 : i32
        %scan3A_99 = arith.constant 1 : i32
        scf.for %scan3A_101 = %scan3A_96 to %scan3A_98 step %scan3A_99  : i32 {
          %mul3A_102 = arith.constant 1 : i32
          %mul3A_103 = arith.muli %scan3A_101, %mul3A_102 : i32
          %add3A_104 = arith.constant 0 : i32
          %add3A_105 = arith.addi %add3A_104, %mul3A_103 : i32
          %broadcast_in_dim3A = arith.constant 0.000000e+00 : f32
          %broadcast_in_dim3A_106 = vector.broadcast %broadcast_in_dim3A : f32 to vector<16xf32>
          %mul3A_107 = arith.constant 16 : i32
          %mul3A_108 = arith.muli %add3A_105, %mul3A_107 : i32
          %swap3A = arith.index_cast %add3A_95 : i32 to index
          %swap3A_109 = arith.index_cast %mul3A_108 : i32 to index
          %swap3A_110 = tpu.vector_load %arg8[%swap3A, %swap3A_109] {strides = array<i32>} : memref<128x128xf32, #tpu.memory_space<vmem>>, vector<1x16xf32>,
          %swap3A_111 = vector.shape_cast %swap3A_110 : vector<1x16xf32> to vector<16xf32>
          %swap3A_112 = vector.shape_cast %broadcast_in_dim3A_106 : vector<16xf32> to vector<1x16xf32>
          tpu.vector_store %arg8[%swap3A, %swap3A_109], %swap3A_112 {strides = array<i32>} : memref<128x128xf32, #tpu.memory_space<vmem>>, vector<1x16xf32>,
        }
        %scan3A_100 = arith.constant 8 : i32
      }
      %scan3A_35 = arith.constant 128 : i32
      %scan3A_36 = arith.constant 0 : i32
      %scan3A_37 = arith.constant 5 : i32
      %scan3A_38 = arith.addi %scan3A_36, %scan3A_37 : i32
      %scan3A_39 = arith.constant 1 : i32
      scf.for %scan3A_91 = %scan3A_36 to %scan3A_38 step %scan3A_39  : i32 {
        %mul3A_92 = arith.constant 1 : i32
        %mul3A_93 = arith.muli %scan3A_91, %mul3A_92 : i32
        %add3A_94 = arith.constant 0 : i32
        %add3A_95 = arith.addi %add3A_94, %mul3A_93 : i32
        %mul3A_96 = arith.constant 640 : i32
        %mul3A_97 = arith.muli %arg1, %mul3A_96 : i32
        %mul3A_98 = arith.constant 128 : i32
        %mul3A_99 = arith.muli %add3A_95, %mul3A_98 : i32
        %add3A_100 = arith.addi %mul3A_97, %mul3A_99 : i32
        "tpu.region"() ({
          %run_scoped3A_101 = tpu.sem_alloc : memref<!tpu.dma_semaphore, #tpu.memory_space<semaphore_mem>>
          %dma_start3A_102 = arith.constant 0 : i32
          %dma_start3A_103 = tpu.memref_slice %arg9[%add3A_100, %dma_start3A_102] : memref<10240x128xf32, #tpu.memory_space<vmem_shared>> -> memref<128x128xf32, #tpu.memory_space<vmem_shared>>
          %dma_start3A_104 = arith.constant 0 : i32
          %dma_start3A_105 = tpu.memref_slice %arg9[%add3A_100, %dma_start3A_104] : memref<10240x128xf32, #tpu.memory_space<vmem_shared>> -> memref<128x128xf32, #tpu.memory_space<vmem_shared>>
          tpu.enqueue_dma source(%arg8 : memref<128x128xf32, #tpu.memory_space<vmem>>) target(%dma_start3A_105 : memref<128x128xf32, #tpu.memory_space<vmem_shared>>) target_semaphore(%run_scoped3A_101 : memref<!tpu.dma_semaphore, #tpu.memory_space<semaphore_mem>>)
          %dma_wait3A_106 = arith.constant 0 : i32
          %dma_wait3A_107 = tpu.memref_slice %arg9[%add3A_100, %dma_wait3A_106] : memref<10240x128xf32, #tpu.memory_space<vmem_shared>> -> memref<128x128xf32, #tpu.memory_space<vmem_shared>>
          %dma_wait3A_108 = arith.constant 0 : i32
          %dma_wait3A_109 = tpu.memref_slice %arg9[%add3A_100, %dma_wait3A_108] : memref<10240x128xf32, #tpu.memory_space<vmem_shared>> -> memref<128x128xf32, #tpu.memory_space<vmem_shared>>
          tpu.wait_dma2 semaphore(%run_scoped3A_101 : memref<!tpu.dma_semaphore, #tpu.memory_space<semaphore_mem>>) src(%arg8 : memref<128x128xf32, #tpu.memory_space<vmem>>) dst(%dma_wait3A_109 : memref<128x128xf32, #tpu.memory_space<vmem_shared>>)
          tpu.yield
        }) : () -> ()
      }
      %scan3A_40 = arith.constant 5 : i32
      %barrier3A = arith.constant 0 : index
      tpu.barrier barrier_id(%barrier3A)
      %scan3A_41 = arith.constant 0 : i32
      %scan3A_42 = arith.constant 128 : i32
      %scan3A_43 = arith.addi %scan3A_41, %scan3A_42 : i32
      %scan3A_44 = arith.constant 1 : i32
      scf.for %scan3A_91 = %scan3A_41 to %scan3A_43 step %scan3A_44  : i32 {
        %mul3A_92 = arith.constant 1 : i32
        %mul3A_93 = arith.muli %scan3A_91, %mul3A_92 : i32
        %add3A_94 = arith.constant 0 : i32
        %add3A_95 = arith.addi %add3A_94, %mul3A_93 : i32
        %scan3A_96 = arith.constant 0 : i32
        %scan3A_97 = arith.constant 8 : i32
        %scan3A_98 = arith.addi %scan3A_96, %scan3A_97 : i32
        %scan3A_99 = arith.constant 1 : i32
        scf.for %scan3A_101 = %scan3A_96 to %scan3A_98 step %scan3A_99  : i32 {
          %mul3A_102 = arith.constant 1 : i32
          %mul3A_103 = arith.muli %scan3A_101, %mul3A_102 : i32
          %add3A_104 = arith.constant 0 : i32
          %add3A_105 = arith.addi %add3A_104, %mul3A_103 : i32
          %broadcast_in_dim3A = arith.constant 1.000000e+00 : f32
          %broadcast_in_dim3A_106 = vector.broadcast %broadcast_in_dim3A : f32 to vector<16xf32>
          %mul3A_107 = arith.constant 16 : i32
          %mul3A_108 = arith.muli %add3A_105, %mul3A_107 : i32
          %swap3A = arith.index_cast %add3A_95 : i32 to index
          %swap3A_109 = arith.index_cast %mul3A_108 : i32 to index
          %swap3A_110 = tpu.vector_load %arg8[%swap3A, %swap3A_109] {strides = array<i32>} : memref<128x128xf32, #tpu.memory_space<vmem>>, vector<1x16xf32>,
          %swap3A_111 = vector.shape_cast %swap3A_110 : vector<1x16xf32> to vector<16xf32>
          %swap3A_112 = vector.shape_cast %broadcast_in_dim3A_106 : vector<16xf32> to vector<1x16xf32>
          tpu.vector_store %arg8[%swap3A, %swap3A_109], %swap3A_112 {strides = array<i32>} : memref<128x128xf32, #tpu.memory_space<vmem>>, vector<1x16xf32>,
        }
        %scan3A_100 = arith.constant 8 : i32
      }
      %scan3A_45 = arith.constant 128 : i32
      %scan3A_46 = arith.constant 0 : i32
      %scan3A_47 = arith.constant 19 : i32
      %scan3A_48 = arith.addi %scan3A_46, %scan3A_47 : i32
      %scan3A_49 = arith.constant 1 : i32
      scf.for %scan3A_91 = %scan3A_46 to %scan3A_48 step %scan3A_49  : i32 {
        %mul3A_92 = arith.constant 1 : i32
        %mul3A_93 = arith.muli %scan3A_91, %mul3A_92 : i32
        %add3A_94 = arith.constant 0 : i32
        %add3A_95 = arith.addi %add3A_94, %mul3A_93 : i32
        %mul3A_96 = arith.constant 2 : i32
        %mul3A_97 = arith.muli %mul3A_96, %add3A_95 : i32
        %gt3A_98 = arith.constant 0 : i32
        %gt3A_99 = arith.cmpi sgt, %add3A_95, %gt3A_98 : i32
        %dma_wait3A_100 = arith.constant 0 : i32
        %dma_wait3A_101 = arith.constant 0 : i32
        %dma_wait3A_102 = arith.constant 0 : i32
        %dma_wait3A_103 = tpu.memref_slice %arg2[%dma_wait3A_100, %dma_wait3A_101, %dma_wait3A_102] : memref<1250x1x128xi32, #tpu.memory_space<hbm>> -> memref<1x1x128xi32, #tpu.memory_space<hbm>>
        %dma_wait3A_104 = tpu.memref_squeeze %dma_wait3A_103 : memref<1x1x128xi32, #tpu.memory_space<hbm>> -> memref<1x128xi32, #tpu.memory_space<hbm>>
        %dma_wait3A_105 = arith.constant 0 : i32
        %dma_wait3A_106 = arith.constant 0 : i32
        %dma_wait3A_107 = tpu.memref_slice %arg2[%dma_wait3A_100, %dma_wait3A_105, %dma_wait3A_106] : memref<1250x1x128xi32, #tpu.memory_space<hbm>> -> memref<1x1x128xi32, #tpu.memory_space<hbm>>
        %dma_wait3A_108 = tpu.memref_squeeze %dma_wait3A_107 : memref<1x1x128xi32, #tpu.memory_space<hbm>> -> memref<1x128xi32, #tpu.memory_space<hbm>>
        tpu.wait_dma2 semaphore(%arg10 : memref<!tpu.dma_semaphore, #tpu.memory_space<semaphore_mem>>) src(%dma_wait3A_108 : memref<1x128xi32, #tpu.memory_space<hbm>>) dst(%arg4 : memref<1x128xi32, #tpu.memory_space<vmem>>)
        %scan3A_109 = arith.constant 0 : i32
        %scan3A_110 = arith.constant 8 : i32
        %scan3A_111 = arith.addi %scan3A_109, %scan3A_110 : i32
        %scan3A_112 = arith.constant 1 : i32
        scf.for %scan3A_156 = %scan3A_109 to %scan3A_111 step %scan3A_112  : i32 {
          %mul3A_157 = arith.constant 1 : i32
          %mul3A_158 = arith.muli %scan3A_156, %mul3A_157 : i32
          %add3A_159 = arith.constant 0 : i32
          %add3A_160 = arith.addi %add3A_159, %mul3A_158 : i32
          %mul3A_161 = arith.constant 16 : i32
          %mul3A_162 = arith.muli %add3A_160, %mul3A_161 : i32
          %get3A = arith.constant 0 : i32
          %get3A_163 = arith.index_cast %get3A : i32 to index
          %get3A_164 = arith.index_cast %mul3A_162 : i32 to index
          %get3A_165 = tpu.vector_load %arg4[%get3A_163, %get3A_164] {strides = array<i32>} : memref<1x128xi32, #tpu.memory_space<vmem>>, vector<1x16xi32>,
          %get3A_166 = vector.shape_cast %get3A_165 : vector<1x16xi32> to vector<16xi32>
          %mul3A_167 = arith.constant 16 : i32
          %mul3A_168 = arith.muli %add3A_160, %mul3A_167 : i32
          %swap3A = arith.index_cast %mul3A_168 : i32 to index
          %swap3A_169 = tpu.vector_load %arg6[%swap3A] {strides = array<i32>} : memref<128xi32, #tpu.memory_space<vmem>>, vector<16xi32>,
          %swap3A_170 = vector.shape_cast %swap3A_169 : vector<16xi32> to vector<16xi32>
          %swap3A_171 = vector.shape_cast %get3A_166 : vector<16xi32> to vector<16xi32>
          tpu.vector_store %arg6[%swap3A], %swap3A_171 {strides = array<i32>} : memref<128xi32, #tpu.memory_space<vmem>>, vector<16xi32>,
        }
        %scan3A_113 = arith.constant 8 : i32
        %convert_element_type3A_114 = arith.extui %gt3A_99 : i1 to i32
        %cond3A_115 = arith.constant 0 : i32
        %cond3A_116 = arith.cmpi ne, %convert_element_type3A_114, %cond3A_115 : i32
        scf.if %cond3A_116 {
          %dma_wait3A_156 = arith.constant 0 : i32
          %dma_wait3A_157 = arith.constant 0 : i32
          %dma_wait3A_158 = tpu.memref_slice %arg9[%dma_wait3A_156, %dma_wait3A_157] : memref<10240x128xf32, #tpu.memory_space<vmem_shared>> -> memref<10240x128xf32, #tpu.memory_space<vmem_shared>>
          tpu.wait_indirect_dma semaphore(%arg12 : memref<!tpu.dma_semaphore, #tpu.memory_space<semaphore_mem>>) src(%arg8 : memref<128x128xf32, #tpu.memory_space<vmem>>) dst(%dma_wait3A_158 : memref<10240x128xf32, #tpu.memory_space<vmem_shared>>)
        } else {
        }
        %dma_start3A_117 = arith.constant 0 : i32
        %dma_start3A_118 = arith.constant 0 : i32
        %dma_start3A_119 = tpu.memref_slice %arg9[%dma_start3A_117, %dma_start3A_118] : memref<10240x128xf32, #tpu.memory_space<vmem_shared>> -> memref<10240x128xf32, #tpu.memory_space<vmem_shared>>
        tpu.enqueue_indirect_dma source(%arg8 : memref<128x128xf32, #tpu.memory_space<vmem>>) target(%dma_start3A_119 : memref<10240x128xf32, #tpu.memory_space<vmem_shared>>) offsets(%arg6 : memref<128xi32, #tpu.memory_space<vmem>>) semaphore(%arg12 : memref<!tpu.dma_semaphore, #tpu.memory_space<semaphore_mem>>) {add = true}
        %add3A_120 = arith.constant 2 : i32
        %add3A_121 = arith.addi %mul3A_97, %add3A_120 : i32
        %lt3A_122 = arith.cmpi slt, %add3A_121, %select_n3A : i32
        %convert_element_type3A_123 = arith.extui %lt3A_122 : i1 to i32
        %cond3A_124 = arith.constant 0 : i32
        %cond3A_125 = arith.cmpi ne, %convert_element_type3A_123, %cond3A_124 : i32
        scf.if %cond3A_125 {
          %add3A_156 = arith.constant 2 : i32
          %add3A_157 = arith.addi %mul3A_97, %add3A_156 : i32
          %add3A_158 = arith.addi %add3A_12, %add3A_157 : i32
          %dma_start3A_159 = arith.constant 0 : i32
          %dma_start3A_160 = arith.constant 0 : i32
          %dma_start3A_161 = tpu.memref_slice %arg2[%add3A_158, %dma_start3A_159, %dma_start3A_160] : memref<1250x1x128xi32, #tpu.memory_space<hbm>> -> memref<1x1x128xi32, #tpu.memory_space<hbm>>
          %dma_start3A_162 = tpu.memref_squeeze %dma_start3A_161 : memref<1x1x128xi32, #tpu.memory_space<hbm>> -> memref<1x128xi32, #tpu.memory_space<hbm>>
          %dma_start3A_163 = arith.constant 0 : i32
          %dma_start3A_164 = arith.constant 0 : i32
          %dma_start3A_165 = tpu.memref_slice %arg2[%add3A_158, %dma_start3A_163, %dma_start3A_164] : memref<1250x1x128xi32, #tpu.memory_space<hbm>> -> memref<1x1x128xi32, #tpu.memory_space<hbm>>
          %dma_start3A_166 = tpu.memref_squeeze %dma_start3A_165 : memref<1x1x128xi32, #tpu.memory_space<hbm>> -> memref<1x128xi32, #tpu.memory_space<hbm>>
          tpu.enqueue_dma source(%dma_start3A_166 : memref<1x128xi32, #tpu.memory_space<hbm>>) target(%arg4 : memref<1x128xi32, #tpu.memory_space<vmem>>) target_semaphore(%arg10 : memref<!tpu.dma_semaphore, #tpu.memory_space<semaphore_mem>>)
        } else {
        }
        %add3A_126 = arith.constant 1 : i32
        %add3A_127 = arith.addi %mul3A_97, %add3A_126 : i32
        %gt3A_128 = arith.constant 0 : i32
        %gt3A_129 = arith.cmpi sgt, %add3A_95, %gt3A_128 : i32
        %dma_wait3A_130 = arith.constant 0 : i32
        %dma_wait3A_131 = arith.constant 0 : i32
        %dma_wait3A_132 = arith.constant 0 : i32
        %dma_wait3A_133 = tpu.memref_slice %arg2[%dma_wait3A_130, %dma_wait3A_131, %dma_wait3A_132] : memref<1250x1x128xi32, #tpu.memory_space<hbm>> -> memref<1x1x128xi32, #tpu.memory_space<hbm>>
        %dma_wait3A_134 = tpu.memref_squeeze %dma_wait3A_133 : memref<1x1x128xi32, #tpu.memory_space<hbm>> -> memref<1x128xi32, #tpu.memory_space<hbm>>
        %dma_wait3A_135 = arith.constant 0 : i32
        %dma_wait3A_136 = arith.constant 0 : i32
        %dma_wait3A_137 = tpu.memref_slice %arg2[%dma_wait3A_130, %dma_wait3A_135, %dma_wait3A_136] : memref<1250x1x128xi32, #tpu.memory_space<hbm>> -> memref<1x1x128xi32, #tpu.memory_space<hbm>>
        %dma_wait3A_138 = tpu.memref_squeeze %dma_wait3A_137 : memref<1x1x128xi32, #tpu.memory_space<hbm>> -> memref<1x128xi32, #tpu.memory_space<hbm>>
        tpu.wait_dma2 semaphore(%arg11 : memref<!tpu.dma_semaphore, #tpu.memory_space<semaphore_mem>>) src(%dma_wait3A_138 : memref<1x128xi32, #tpu.memory_space<hbm>>) dst(%arg5 : memref<1x128xi32, #tpu.memory_space<vmem>>)
        %scan3A_139 = arith.constant 0 : i32
        %scan3A_140 = arith.constant 8 : i32
        %scan3A_141 = arith.addi %scan3A_139, %scan3A_140 : i32
        %scan3A_142 = arith.constant 1 : i32
        scf.for %scan3A_156 = %scan3A_139 to %scan3A_141 step %scan3A_142  : i32 {
          %mul3A_157 = arith.constant 1 : i32
          %mul3A_158 = arith.muli %scan3A_156, %mul3A_157 : i32
          %add3A_159 = arith.constant 0 : i32
          %add3A_160 = arith.addi %add3A_159, %mul3A_158 : i32
          %mul3A_161 = arith.constant 16 : i32
          %mul3A_162 = arith.muli %add3A_160, %mul3A_161 : i32
          %get3A = arith.constant 0 : i32
          %get3A_163 = arith.index_cast %get3A : i32 to index
          %get3A_164 = arith.index_cast %mul3A_162 : i32 to index
          %get3A_165 = tpu.vector_load %arg5[%get3A_163, %get3A_164] {strides = array<i32>} : memref<1x128xi32, #tpu.memory_space<vmem>>, vector<1x16xi32>,
          %get3A_166 = vector.shape_cast %get3A_165 : vector<1x16xi32> to vector<16xi32>
          %mul3A_167 = arith.constant 16 : i32
          %mul3A_168 = arith.muli %add3A_160, %mul3A_167 : i32
          %swap3A = arith.index_cast %mul3A_168 : i32 to index
          %swap3A_169 = tpu.vector_load %arg7[%swap3A] {strides = array<i32>} : memref<128xi32, #tpu.memory_space<vmem>>, vector<16xi32>,
          %swap3A_170 = vector.shape_cast %swap3A_169 : vector<16xi32> to vector<16xi32>
          %swap3A_171 = vector.shape_cast %get3A_166 : vector<16xi32> to vector<16xi32>
          tpu.vector_store %arg7[%swap3A], %swap3A_171 {strides = array<i32>} : memref<128xi32, #tpu.memory_space<vmem>>, vector<16xi32>,
        }
        %scan3A_143 = arith.constant 8 : i32
        %convert_element_type3A_144 = arith.extui %gt3A_129 : i1 to i32
        %cond3A_145 = arith.constant 0 : i32
        %cond3A_146 = arith.cmpi ne, %convert_element_type3A_144, %cond3A_145 : i32
        scf.if %cond3A_146 {
          %dma_wait3A_156 = arith.constant 0 : i32
          %dma_wait3A_157 = arith.constant 0 : i32
          %dma_wait3A_158 = tpu.memref_slice %arg9[%dma_wait3A_156, %dma_wait3A_157] : memref<10240x128xf32, #tpu.memory_space<vmem_shared>> -> memref<10240x128xf32, #tpu.memory_space<vmem_shared>>
          tpu.wait_indirect_dma semaphore(%arg13 : memref<!tpu.dma_semaphore, #tpu.memory_space<semaphore_mem>>) src(%arg8 : memref<128x128xf32, #tpu.memory_space<vmem>>) dst(%dma_wait3A_158 : memref<10240x128xf32, #tpu.memory_space<vmem_shared>>)
        } else {
        }
        %dma_start3A_147 = arith.constant 0 : i32
        %dma_start3A_148 = arith.constant 0 : i32
        %dma_start3A_149 = tpu.memref_slice %arg9[%dma_start3A_147, %dma_start3A_148] : memref<10240x128xf32, #tpu.memory_space<vmem_shared>> -> memref<10240x128xf32, #tpu.memory_space<vmem_shared>>
        tpu.enqueue_indirect_dma source(%arg8 : memref<128x128xf32, #tpu.memory_space<vmem>>) target(%dma_start3A_149 : memref<10240x128xf32, #tpu.memory_space<vmem_shared>>) offsets(%arg7 : memref<128xi32, #tpu.memory_space<vmem>>) semaphore(%arg13 : memref<!tpu.dma_semaphore, #tpu.memory_space<semaphore_mem>>) {add = true}
        %add3A_150 = arith.constant 2 : i32
        %add3A_151 = arith.addi %add3A_127, %add3A_150 : i32
        %lt3A_152 = arith.cmpi slt, %add3A_151, %select_n3A : i32
        %convert_element_type3A_153 = arith.extui %lt3A_152 : i1 to i32
        %cond3A_154 = arith.constant 0 : i32
        %cond3A_155 = arith.cmpi ne, %convert_element_type3A_153, %cond3A_154 : i32
        scf.if %cond3A_155 {
          %add3A_156 = arith.constant 2 : i32
          %add3A_157 = arith.addi %add3A_127, %add3A_156 : i32
          %add3A_158 = arith.addi %add3A_12, %add3A_157 : i32
          %dma_start3A_159 = arith.constant 0 : i32
          %dma_start3A_160 = arith.constant 0 : i32
          %dma_start3A_161 = tpu.memref_slice %arg2[%add3A_158, %dma_start3A_159, %dma_start3A_160] : memref<1250x1x128xi32, #tpu.memory_space<hbm>> -> memref<1x1x128xi32, #tpu.memory_space<hbm>>
          %dma_start3A_162 = tpu.memref_squeeze %dma_start3A_161 : memref<1x1x128xi32, #tpu.memory_space<hbm>> -> memref<1x128xi32, #tpu.memory_space<hbm>>
          %dma_start3A_163 = arith.constant 0 : i32
          %dma_start3A_164 = arith.constant 0 : i32
          %dma_start3A_165 = tpu.memref_slice %arg2[%add3A_158, %dma_start3A_163, %dma_start3A_164] : memref<1250x1x128xi32, #tpu.memory_space<hbm>> -> memref<1x1x128xi32, #tpu.memory_space<hbm>>
          %dma_start3A_166 = tpu.memref_squeeze %dma_start3A_165 : memref<1x1x128xi32, #tpu.memory_space<hbm>> -> memref<1x128xi32, #tpu.memory_space<hbm>>
          tpu.enqueue_dma source(%dma_start3A_166 : memref<1x128xi32, #tpu.memory_space<hbm>>) target(%arg5 : memref<1x128xi32, #tpu.memory_space<vmem>>) target_semaphore(%arg11 : memref<!tpu.dma_semaphore, #tpu.memory_space<semaphore_mem>>)
        } else {
        }
      }
      %scan3A_50 = arith.constant 19 : i32
      %dma_wait3A = arith.constant 0 : i32
      %dma_wait3A_51 = arith.constant 0 : i32
      %dma_wait3A_52 = arith.constant 0 : i32
      %dma_wait3A_53 = tpu.memref_slice %arg2[%dma_wait3A, %dma_wait3A_51, %dma_wait3A_52] : memref<1250x1x128xi32, #tpu.memory_space<hbm>> -> memref<1x1x128xi32, #tpu.memory_space<hbm>>
      %dma_wait3A_54 = tpu.memref_squeeze %dma_wait3A_53 : memref<1x1x128xi32, #tpu.memory_space<hbm>> -> memref<1x128xi32, #tpu.memory_space<hbm>>
      %dma_wait3A_55 = arith.constant 0 : i32
      %dma_wait3A_56 = arith.constant 0 : i32
      %dma_wait3A_57 = tpu.memref_slice %arg2[%dma_wait3A, %dma_wait3A_55, %dma_wait3A_56] : memref<1250x1x128xi32, #tpu.memory_space<hbm>> -> memref<1x1x128xi32, #tpu.memory_space<hbm>>
      %dma_wait3A_58 = tpu.memref_squeeze %dma_wait3A_57 : memref<1x1x128xi32, #tpu.memory_space<hbm>> -> memref<1x128xi32, #tpu.memory_space<hbm>>
      tpu.wait_dma2 semaphore(%arg10 : memref<!tpu.dma_semaphore, #tpu.memory_space<semaphore_mem>>) src(%dma_wait3A_58 : memref<1x128xi32, #tpu.memory_space<hbm>>) dst(%arg4 : memref<1x128xi32, #tpu.memory_space<vmem>>)
      %scan3A_59 = arith.constant 0 : i32
      %scan3A_60 = arith.constant 8 : i32
      %scan3A_61 = arith.addi %scan3A_59, %scan3A_60 : i32
      %scan3A_62 = arith.constant 1 : i32
      scf.for %scan3A_91 = %scan3A_59 to %scan3A_61 step %scan3A_62  : i32 {
        %mul3A_92 = arith.constant 1 : i32
        %mul3A_93 = arith.muli %scan3A_91, %mul3A_92 : i32
        %add3A_94 = arith.constant 0 : i32
        %add3A_95 = arith.addi %add3A_94, %mul3A_93 : i32
        %mul3A_96 = arith.constant 16 : i32
        %mul3A_97 = arith.muli %add3A_95, %mul3A_96 : i32
        %get3A = arith.constant 0 : i32
        %get3A_98 = arith.index_cast %get3A : i32 to index
        %get3A_99 = arith.index_cast %mul3A_97 : i32 to index
        %get3A_100 = tpu.vector_load %arg4[%get3A_98, %get3A_99] {strides = array<i32>} : memref<1x128xi32, #tpu.memory_space<vmem>>, vector<1x16xi32>,
        %get3A_101 = vector.shape_cast %get3A_100 : vector<1x16xi32> to vector<16xi32>
        %mul3A_102 = arith.constant 16 : i32
        %mul3A_103 = arith.muli %add3A_95, %mul3A_102 : i32
        %swap3A = arith.index_cast %mul3A_103 : i32 to index
        %swap3A_104 = tpu.vector_load %arg6[%swap3A] {strides = array<i32>} : memref<128xi32, #tpu.memory_space<vmem>>, vector<16xi32>,
        %swap3A_105 = vector.shape_cast %swap3A_104 : vector<16xi32> to vector<16xi32>
        %swap3A_106 = vector.shape_cast %get3A_101 : vector<16xi32> to vector<16xi32>
        tpu.vector_store %arg6[%swap3A], %swap3A_106 {strides = array<i32>} : memref<128xi32, #tpu.memory_space<vmem>>, vector<16xi32>,
      }
      %scan3A_63 = arith.constant 8 : i32
      %cond3A_64 = arith.constant 1 : i32
      %dma_wait3A_65 = arith.constant 0 : i32
      %dma_wait3A_66 = arith.constant 0 : i32
      %dma_wait3A_67 = tpu.memref_slice %arg9[%dma_wait3A_65, %dma_wait3A_66] : memref<10240x128xf32, #tpu.memory_space<vmem_shared>> -> memref<10240x128xf32, #tpu.memory_space<vmem_shared>>
      tpu.wait_indirect_dma semaphore(%arg12 : memref<!tpu.dma_semaphore, #tpu.memory_space<semaphore_mem>>) src(%arg8 : memref<128x128xf32, #tpu.memory_space<vmem>>) dst(%dma_wait3A_67 : memref<10240x128xf32, #tpu.memory_space<vmem_shared>>)
      %dma_start3A_68 = arith.constant 0 : i32
      %dma_start3A_69 = arith.constant 0 : i32
      %dma_start3A_70 = tpu.memref_slice %arg9[%dma_start3A_68, %dma_start3A_69] : memref<10240x128xf32, #tpu.memory_space<vmem_shared>> -> memref<10240x128xf32, #tpu.memory_space<vmem_shared>>
      tpu.enqueue_indirect_dma source(%arg8 : memref<128x128xf32, #tpu.memory_space<vmem>>) target(%dma_start3A_70 : memref<10240x128xf32, #tpu.memory_space<vmem_shared>>) offsets(%arg6 : memref<128xi32, #tpu.memory_space<vmem>>) semaphore(%arg12 : memref<!tpu.dma_semaphore, #tpu.memory_space<semaphore_mem>>) {add = true}
      %gt3A = arith.constant 40 : i32
      %gt3A_71 = arith.cmpi sgt, %select_n3A, %gt3A : i32
      %convert_element_type3A_72 = arith.extui %gt3A_71 : i1 to i32
      %cond3A_73 = arith.constant 0 : i32
      %cond3A_74 = arith.cmpi ne, %convert_element_type3A_72, %cond3A_73 : i32
      scf.if %cond3A_74 {
        %add3A_91 = arith.constant 40 : i32
        %add3A_92 = arith.addi %add3A_12, %add3A_91 : i32
        %dma_start3A_93 = arith.constant 0 : i32
        %dma_start3A_94 = arith.constant 0 : i32
        %dma_start3A_95 = tpu.memref_slice %arg2[%add3A_92, %dma_start3A_93, %dma_start3A_94] : memref<1250x1x128xi32, #tpu.memory_space<hbm>> -> memref<1x1x128xi32, #tpu.memory_space<hbm>>
        %dma_start3A_96 = tpu.memref_squeeze %dma_start3A_95 : memref<1x1x128xi32, #tpu.memory_space<hbm>> -> memref<1x128xi32, #tpu.memory_space<hbm>>
        %dma_start3A_97 = arith.constant 0 : i32
        %dma_start3A_98 = arith.constant 0 : i32
        %dma_start3A_99 = tpu.memref_slice %arg2[%add3A_92, %dma_start3A_97, %dma_start3A_98] : memref<1250x1x128xi32, #tpu.memory_space<hbm>> -> memref<1x1x128xi32, #tpu.memory_space<hbm>>
        %dma_start3A_100 = tpu.memref_squeeze %dma_start3A_99 : memref<1x1x128xi32, #tpu.memory_space<hbm>> -> memref<1x128xi32, #tpu.memory_space<hbm>>
        tpu.enqueue_dma source(%dma_start3A_100 : memref<1x128xi32, #tpu.memory_space<hbm>>) target(%arg4 : memref<1x128xi32, #tpu.memory_space<vmem>>) target_semaphore(%arg10 : memref<!tpu.dma_semaphore, #tpu.memory_space<semaphore_mem>>)
      } else {
      }
      %gt3A_75 = arith.constant 39 : i32
      %gt3A_76 = arith.cmpi sgt, %select_n3A, %gt3A_75 : i32
      %convert_element_type3A_77 = arith.extui %gt3A_76 : i1 to i32
      %cond3A_78 = arith.constant 0 : i32
      %cond3A_79 = arith.cmpi ne, %convert_element_type3A_77, %cond3A_78 : i32
      scf.if %cond3A_79 {
        %dma_wait3A_91 = arith.constant 0 : i32
        %dma_wait3A_92 = arith.constant 0 : i32
        %dma_wait3A_93 = arith.constant 0 : i32
        %dma_wait3A_94 = tpu.memref_slice %arg2[%dma_wait3A_91, %dma_wait3A_92, %dma_wait3A_93] : memref<1250x1x128xi32, #tpu.memory_space<hbm>> -> memref<1x1x128xi32, #tpu.memory_space<hbm>>
        %dma_wait3A_95 = tpu.memref_squeeze %dma_wait3A_94 : memref<1x1x128xi32, #tpu.memory_space<hbm>> -> memref<1x128xi32, #tpu.memory_space<hbm>>
        %dma_wait3A_96 = arith.constant 0 : i32
        %dma_wait3A_97 = arith.constant 0 : i32
        %dma_wait3A_98 = tpu.memref_slice %arg2[%dma_wait3A_91, %dma_wait3A_96, %dma_wait3A_97] : memref<1250x1x128xi32, #tpu.memory_space<hbm>> -> memref<1x1x128xi32, #tpu.memory_space<hbm>>
        %dma_wait3A_99 = tpu.memref_squeeze %dma_wait3A_98 : memref<1x1x128xi32, #tpu.memory_space<hbm>> -> memref<1x128xi32, #tpu.memory_space<hbm>>
        tpu.wait_dma2 semaphore(%arg11 : memref<!tpu.dma_semaphore, #tpu.memory_space<semaphore_mem>>) src(%dma_wait3A_99 : memref<1x128xi32, #tpu.memory_space<hbm>>) dst(%arg5 : memref<1x128xi32, #tpu.memory_space<vmem>>)
        %scan3A_100 = arith.constant 0 : i32
        %scan3A_101 = arith.constant 8 : i32
        %scan3A_102 = arith.addi %scan3A_100, %scan3A_101 : i32
        %scan3A_103 = arith.constant 1 : i32
        scf.for %scan3A_117 = %scan3A_100 to %scan3A_102 step %scan3A_103  : i32 {
          %mul3A_118 = arith.constant 1 : i32
          %mul3A_119 = arith.muli %scan3A_117, %mul3A_118 : i32
          %add3A_120 = arith.constant 0 : i32
          %add3A_121 = arith.addi %add3A_120, %mul3A_119 : i32
          %mul3A_122 = arith.constant 16 : i32
          %mul3A_123 = arith.muli %add3A_121, %mul3A_122 : i32
          %get3A = arith.constant 0 : i32
          %get3A_124 = arith.index_cast %get3A : i32 to index
          %get3A_125 = arith.index_cast %mul3A_123 : i32 to index
          %get3A_126 = tpu.vector_load %arg5[%get3A_124, %get3A_125] {strides = array<i32>} : memref<1x128xi32, #tpu.memory_space<vmem>>, vector<1x16xi32>,
          %get3A_127 = vector.shape_cast %get3A_126 : vector<1x16xi32> to vector<16xi32>
          %mul3A_128 = arith.constant 16 : i32
          %mul3A_129 = arith.muli %add3A_121, %mul3A_128 : i32
          %swap3A = arith.index_cast %mul3A_129 : i32 to index
          %swap3A_130 = tpu.vector_load %arg7[%swap3A] {strides = array<i32>} : memref<128xi32, #tpu.memory_space<vmem>>, vector<16xi32>,
          %swap3A_131 = vector.shape_cast %swap3A_130 : vector<16xi32> to vector<16xi32>
          %swap3A_132 = vector.shape_cast %get3A_127 : vector<16xi32> to vector<16xi32>
          tpu.vector_store %arg7[%swap3A], %swap3A_132 {strides = array<i32>} : memref<128xi32, #tpu.memory_space<vmem>>, vector<16xi32>,
        }
        %scan3A_104 = arith.constant 8 : i32
        %cond3A_105 = arith.constant 1 : i32
        %dma_wait3A_106 = arith.constant 0 : i32
        %dma_wait3A_107 = arith.constant 0 : i32
        %dma_wait3A_108 = tpu.memref_slice %arg9[%dma_wait3A_106, %dma_wait3A_107] : memref<10240x128xf32, #tpu.memory_space<vmem_shared>> -> memref<10240x128xf32, #tpu.memory_space<vmem_shared>>
        tpu.wait_indirect_dma semaphore(%arg13 : memref<!tpu.dma_semaphore, #tpu.memory_space<semaphore_mem>>) src(%arg8 : memref<128x128xf32, #tpu.memory_space<vmem>>) dst(%dma_wait3A_108 : memref<10240x128xf32, #tpu.memory_space<vmem_shared>>)
        %dma_start3A_109 = arith.constant 0 : i32
        %dma_start3A_110 = arith.constant 0 : i32
        %dma_start3A_111 = tpu.memref_slice %arg9[%dma_start3A_109, %dma_start3A_110] : memref<10240x128xf32, #tpu.memory_space<vmem_shared>> -> memref<10240x128xf32, #tpu.memory_space<vmem_shared>>
        tpu.enqueue_indirect_dma source(%arg8 : memref<128x128xf32, #tpu.memory_space<vmem>>) target(%dma_start3A_111 : memref<10240x128xf32, #tpu.memory_space<vmem_shared>>) offsets(%arg7 : memref<128xi32, #tpu.memory_space<vmem>>) semaphore(%arg13 : memref<!tpu.dma_semaphore, #tpu.memory_space<semaphore_mem>>) {add = true}
        %gt3A_112 = arith.constant 41 : i32
        %gt3A_113 = arith.cmpi sgt, %select_n3A, %gt3A_112 : i32
        %convert_element_type3A_114 = arith.extui %gt3A_113 : i1 to i32
        %cond3A_115 = arith.constant 0 : i32
        %cond3A_116 = arith.cmpi ne, %convert_element_type3A_114, %cond3A_115 : i32
        scf.if %cond3A_116 {
          %add3A_117 = arith.constant 41 : i32
          %add3A_118 = arith.addi %add3A_12, %add3A_117 : i32
          %dma_start3A_119 = arith.constant 0 : i32
          %dma_start3A_120 = arith.constant 0 : i32
          %dma_start3A_121 = tpu.memref_slice %arg2[%add3A_118, %dma_start3A_119, %dma_start3A_120] : memref<1250x1x128xi32, #tpu.memory_space<hbm>> -> memref<1x1x128xi32, #tpu.memory_space<hbm>>
          %dma_start3A_122 = tpu.memref_squeeze %dma_start3A_121 : memref<1x1x128xi32, #tpu.memory_space<hbm>> -> memref<1x128xi32, #tpu.memory_space<hbm>>
          %dma_start3A_123 = arith.constant 0 : i32
          %dma_start3A_124 = arith.constant 0 : i32
          %dma_start3A_125 = tpu.memref_slice %arg2[%add3A_118, %dma_start3A_123, %dma_start3A_124] : memref<1250x1x128xi32, #tpu.memory_space<hbm>> -> memref<1x1x128xi32, #tpu.memory_space<hbm>>
          %dma_start3A_126 = tpu.memref_squeeze %dma_start3A_125 : memref<1x1x128xi32, #tpu.memory_space<hbm>> -> memref<1x128xi32, #tpu.memory_space<hbm>>
          tpu.enqueue_dma source(%dma_start3A_126 : memref<1x128xi32, #tpu.memory_space<hbm>>) target(%arg5 : memref<1x128xi32, #tpu.memory_space<vmem>>) target_semaphore(%arg11 : memref<!tpu.dma_semaphore, #tpu.memory_space<semaphore_mem>>)
        } else {
        }
      } else {
      }
      %dma_wait3A_80 = arith.constant 0 : i32
      %dma_wait3A_81 = arith.constant 0 : i32
      %dma_wait3A_82 = tpu.memref_slice %arg9[%dma_wait3A_80, %dma_wait3A_81] : memref<10240x128xf32, #tpu.memory_space<vmem_shared>> -> memref<10240x128xf32, #tpu.memory_space<vmem_shared>>
      tpu.wait_indirect_dma semaphore(%arg12 : memref<!tpu.dma_semaphore, #tpu.memory_space<semaphore_mem>>) src(%arg8 : memref<128x128xf32, #tpu.memory_space<vmem>>) dst(%dma_wait3A_82 : memref<10240x128xf32, #tpu.memory_space<vmem_shared>>)
      %dma_wait3A_83 = arith.constant 0 : i32
      %dma_wait3A_84 = arith.constant 0 : i32
      %dma_wait3A_85 = tpu.memref_slice %arg9[%dma_wait3A_83, %dma_wait3A_84] : memref<10240x128xf32, #tpu.memory_space<vmem_shared>> -> memref<10240x128xf32, #tpu.memory_space<vmem_shared>>
      tpu.wait_indirect_dma semaphore(%arg13 : memref<!tpu.dma_semaphore, #tpu.memory_space<semaphore_mem>>) src(%arg8 : memref<128x128xf32, #tpu.memory_space<vmem>>) dst(%dma_wait3A_85 : memref<10240x128xf32, #tpu.memory_space<vmem_shared>>)
      %barrier3A_86 = arith.constant 0 : index
      tpu.barrier barrier_id(%barrier3A_86)
      %mul3A_87 = arith.constant 640 : i32
      %mul3A_88 = arith.muli %arg1, %mul3A_87 : i32
      %mul3A_89 = arith.constant 640 : i32
      %mul3A_90 = arith.muli %arg1, %mul3A_89 : i32
      %run_scoped3A = arith.constant 0 : i32
      "tpu.region"() ({
        %run_scoped3A_91 = tpu.sem_alloc : memref<!tpu.dma_semaphore, #tpu.memory_space<semaphore_mem>>
        %dma_start3A_92 = arith.constant 0 : i32
        %dma_start3A_93 = tpu.memref_slice %arg3[%run_scoped3A, %mul3A_90, %dma_start3A_92] : memref<2x10240x128xf32, #tpu.memory_space<hbm>> -> memref<1x640x128xf32, #tpu.memory_space<hbm>>
        %dma_start3A_94 = tpu.memref_squeeze %dma_start3A_93 : memref<1x640x128xf32, #tpu.memory_space<hbm>> -> memref<640x128xf32, #tpu.memory_space<hbm>>
        %dma_start3A_95 = arith.constant 0 : i32
        %dma_start3A_96 = tpu.memref_slice %arg9[%mul3A_88, %dma_start3A_95] : memref<10240x128xf32, #tpu.memory_space<vmem_shared>> -> memref<640x128xf32, #tpu.memory_space<vmem_shared>>
        tpu.enqueue_dma source(%dma_start3A_96 : memref<640x128xf32, #tpu.memory_space<vmem_shared>>) target(%dma_start3A_94 : memref<640x128xf32, #tpu.memory_space<hbm>>) target_semaphore(%run_scoped3A_91 : memref<!tpu.dma_semaphore, #tpu.memory_space<semaphore_mem>>)
        %dma_wait3A_97 = arith.constant 0 : i32
        %dma_wait3A_98 = tpu.memref_slice %arg3[%run_scoped3A, %mul3A_90, %dma_wait3A_97] : memref<2x10240x128xf32, #tpu.memory_space<hbm>> -> memref<1x640x128xf32, #tpu.memory_space<hbm>>
        %dma_wait3A_99 = tpu.memref_squeeze %dma_wait3A_98 : memref<1x640x128xf32, #tpu.memory_space<hbm>> -> memref<640x128xf32, #tpu.memory_space<hbm>>
        %dma_wait3A_100 = arith.constant 0 : i32
        %dma_wait3A_101 = tpu.memref_slice %arg9[%mul3A_88, %dma_wait3A_100] : memref<10240x128xf32, #tpu.memory_space<vmem_shared>> -> memref<640x128xf32, #tpu.memory_space<vmem_shared>>
        tpu.wait_dma2 semaphore(%run_scoped3A_91 : memref<!tpu.dma_semaphore, #tpu.memory_space<semaphore_mem>>) src(%dma_wait3A_101 : memref<640x128xf32, #tpu.memory_space<vmem_shared>>) dst(%dma_wait3A_99 : memref<640x128xf32, #tpu.memory_space<hbm>>)
        tpu.yield
      }) : () -> ()
    } else {
    }
    %eq3A_6 = arith.constant 1 : i32
    %eq3A_7 = arith.cmpi eq, %arg0, %eq3A_6 : i32
    %convert_element_type3A_8 = arith.extui %eq3A_7 : i1 to i32
    %cond3A_9 = arith.constant 0 : i32
    %cond3A_10 = arith.cmpi ne, %convert_element_type3A_8, %cond3A_9 : i32
    scf.if %cond3A_10 {
      %add3A_11 = arith.constant 625 : i32
      %add3A_12 = arith.addi %add3A_11, %add3A : i32
      %add3A_13 = arith.constant 0 : i32
      %add3A_14 = arith.addi %add3A_12, %add3A_13 : i32
      %dma_start3A = arith.constant 0 : i32
      %dma_start3A_15 = arith.constant 0 : i32
      %dma_start3A_16 = tpu.memref_slice %arg2[%add3A_14, %dma_start3A, %dma_start3A_15] : memref<1250x1x128xi32, #tpu.memory_space<hbm>> -> memref<1x1x128xi32, #tpu.memory_space<hbm>>
      %dma_start3A_17 = tpu.memref_squeeze %dma_start3A_16 : memref<1x1x128xi32, #tpu.memory_space<hbm>> -> memref<1x128xi32, #tpu.memory_space<hbm>>
      %dma_start3A_18 = arith.constant 0 : i32
      %dma_start3A_19 = arith.constant 0 : i32
      %dma_start3A_20 = tpu.memref_slice %arg2[%add3A_14, %dma_start3A_18, %dma_start3A_19] : memref<1250x1x128xi32, #tpu.memory_space<hbm>> -> memref<1x1x128xi32, #tpu.memory_space<hbm>>
      %dma_start3A_21 = tpu.memref_squeeze %dma_start3A_20 : memref<1x1x128xi32, #tpu.memory_space<hbm>> -> memref<1x128xi32, #tpu.memory_space<hbm>>
      tpu.enqueue_dma source(%dma_start3A_21 : memref<1x128xi32, #tpu.memory_space<hbm>>) target(%arg4 : memref<1x128xi32, #tpu.memory_space<vmem>>) target_semaphore(%arg10 : memref<!tpu.dma_semaphore, #tpu.memory_space<semaphore_mem>>)
      %add3A_22 = arith.constant 1 : i32
      %add3A_23 = arith.addi %add3A_12, %add3A_22 : i32
      %dma_start3A_24 = arith.constant 0 : i32
      %dma_start3A_25 = arith.constant 0 : i32
      %dma_start3A_26 = tpu.memref_slice %arg2[%add3A_23, %dma_start3A_24, %dma_start3A_25] : memref<1250x1x128xi32, #tpu.memory_space<hbm>> -> memref<1x1x128xi32, #tpu.memory_space<hbm>>
      %dma_start3A_27 = tpu.memref_squeeze %dma_start3A_26 : memref<1x1x128xi32, #tpu.memory_space<hbm>> -> memref<1x128xi32, #tpu.memory_space<hbm>>
      %dma_start3A_28 = arith.constant 0 : i32
      %dma_start3A_29 = arith.constant 0 : i32
      %dma_start3A_30 = tpu.memref_slice %arg2[%add3A_23, %dma_start3A_28, %dma_start3A_29] : memref<1250x1x128xi32, #tpu.memory_space<hbm>> -> memref<1x1x128xi32, #tpu.memory_space<hbm>>
      %dma_start3A_31 = tpu.memref_squeeze %dma_start3A_30 : memref<1x1x128xi32, #tpu.memory_space<hbm>> -> memref<1x128xi32, #tpu.memory_space<hbm>>
      tpu.enqueue_dma source(%dma_start3A_31 : memref<1x128xi32, #tpu.memory_space<hbm>>) target(%arg5 : memref<1x128xi32, #tpu.memory_space<vmem>>) target_semaphore(%arg11 : memref<!tpu.dma_semaphore, #tpu.memory_space<semaphore_mem>>)
      %scan3A = arith.constant 0 : i32
      %scan3A_32 = arith.constant 128 : i32
      %scan3A_33 = arith.addi %scan3A, %scan3A_32 : i32
      %scan3A_34 = arith.constant 1 : i32
      scf.for %scan3A_91 = %scan3A to %scan3A_33 step %scan3A_34  : i32 {
        %mul3A_92 = arith.constant 1 : i32
        %mul3A_93 = arith.muli %scan3A_91, %mul3A_92 : i32
        %add3A_94 = arith.constant 0 : i32
        %add3A_95 = arith.addi %add3A_94, %mul3A_93 : i32
        %scan3A_96 = arith.constant 0 : i32
        %scan3A_97 = arith.constant 8 : i32
        %scan3A_98 = arith.addi %scan3A_96, %scan3A_97 : i32
        %scan3A_99 = arith.constant 1 : i32
        scf.for %scan3A_101 = %scan3A_96 to %scan3A_98 step %scan3A_99  : i32 {
          %mul3A_102 = arith.constant 1 : i32
          %mul3A_103 = arith.muli %scan3A_101, %mul3A_102 : i32
          %add3A_104 = arith.constant 0 : i32
          %add3A_105 = arith.addi %add3A_104, %mul3A_103 : i32
          %broadcast_in_dim3A = arith.constant 0.000000e+00 : f32
          %broadcast_in_dim3A_106 = vector.broadcast %broadcast_in_dim3A : f32 to vector<16xf32>
          %mul3A_107 = arith.constant 16 : i32
          %mul3A_108 = arith.muli %add3A_105, %mul3A_107 : i32
          %swap3A = arith.index_cast %add3A_95 : i32 to index
          %swap3A_109 = arith.index_cast %mul3A_108 : i32 to index
          %swap3A_110 = tpu.vector_load %arg8[%swap3A, %swap3A_109] {strides = array<i32>} : memref<128x128xf32, #tpu.memory_space<vmem>>, vector<1x16xf32>,
          %swap3A_111 = vector.shape_cast %swap3A_110 : vector<1x16xf32> to vector<16xf32>
          %swap3A_112 = vector.shape_cast %broadcast_in_dim3A_106 : vector<16xf32> to vector<1x16xf32>
          tpu.vector_store %arg8[%swap3A, %swap3A_109], %swap3A_112 {strides = array<i32>} : memref<128x128xf32, #tpu.memory_space<vmem>>, vector<1x16xf32>,
        }
        %scan3A_100 = arith.constant 8 : i32
      }
      %scan3A_35 = arith.constant 128 : i32
      %scan3A_36 = arith.constant 0 : i32
      %scan3A_37 = arith.constant 5 : i32
      %scan3A_38 = arith.addi %scan3A_36, %scan3A_37 : i32
      %scan3A_39 = arith.constant 1 : i32
      scf.for %scan3A_91 = %scan3A_36 to %scan3A_38 step %scan3A_39  : i32 {
        %mul3A_92 = arith.constant 1 : i32
        %mul3A_93 = arith.muli %scan3A_91, %mul3A_92 : i32
        %add3A_94 = arith.constant 0 : i32
        %add3A_95 = arith.addi %add3A_94, %mul3A_93 : i32
        %mul3A_96 = arith.constant 640 : i32
        %mul3A_97 = arith.muli %arg1, %mul3A_96 : i32
        %mul3A_98 = arith.constant 128 : i32
        %mul3A_99 = arith.muli %add3A_95, %mul3A_98 : i32
        %add3A_100 = arith.addi %mul3A_97, %mul3A_99 : i32
        "tpu.region"() ({
          %run_scoped3A_101 = tpu.sem_alloc : memref<!tpu.dma_semaphore, #tpu.memory_space<semaphore_mem>>
          %dma_start3A_102 = arith.constant 0 : i32
          %dma_start3A_103 = tpu.memref_slice %arg9[%add3A_100, %dma_start3A_102] : memref<10240x128xf32, #tpu.memory_space<vmem_shared>> -> memref<128x128xf32, #tpu.memory_space<vmem_shared>>
          %dma_start3A_104 = arith.constant 0 : i32
          %dma_start3A_105 = tpu.memref_slice %arg9[%add3A_100, %dma_start3A_104] : memref<10240x128xf32, #tpu.memory_space<vmem_shared>> -> memref<128x128xf32, #tpu.memory_space<vmem_shared>>
          tpu.enqueue_dma source(%arg8 : memref<128x128xf32, #tpu.memory_space<vmem>>) target(%dma_start3A_105 : memref<128x128xf32, #tpu.memory_space<vmem_shared>>) target_semaphore(%run_scoped3A_101 : memref<!tpu.dma_semaphore, #tpu.memory_space<semaphore_mem>>)
          %dma_wait3A_106 = arith.constant 0 : i32
          %dma_wait3A_107 = tpu.memref_slice %arg9[%add3A_100, %dma_wait3A_106] : memref<10240x128xf32, #tpu.memory_space<vmem_shared>> -> memref<128x128xf32, #tpu.memory_space<vmem_shared>>
          %dma_wait3A_108 = arith.constant 0 : i32
          %dma_wait3A_109 = tpu.memref_slice %arg9[%add3A_100, %dma_wait3A_108] : memref<10240x128xf32, #tpu.memory_space<vmem_shared>> -> memref<128x128xf32, #tpu.memory_space<vmem_shared>>
          tpu.wait_dma2 semaphore(%run_scoped3A_101 : memref<!tpu.dma_semaphore, #tpu.memory_space<semaphore_mem>>) src(%arg8 : memref<128x128xf32, #tpu.memory_space<vmem>>) dst(%dma_wait3A_109 : memref<128x128xf32, #tpu.memory_space<vmem_shared>>)
          tpu.yield
        }) : () -> ()
      }
      %scan3A_40 = arith.constant 5 : i32
      %barrier3A = arith.constant 0 : index
      tpu.barrier barrier_id(%barrier3A)
      %scan3A_41 = arith.constant 0 : i32
      %scan3A_42 = arith.constant 128 : i32
      %scan3A_43 = arith.addi %scan3A_41, %scan3A_42 : i32
      %scan3A_44 = arith.constant 1 : i32
      scf.for %scan3A_91 = %scan3A_41 to %scan3A_43 step %scan3A_44  : i32 {
        %mul3A_92 = arith.constant 1 : i32
        %mul3A_93 = arith.muli %scan3A_91, %mul3A_92 : i32
        %add3A_94 = arith.constant 0 : i32
        %add3A_95 = arith.addi %add3A_94, %mul3A_93 : i32
        %scan3A_96 = arith.constant 0 : i32
        %scan3A_97 = arith.constant 8 : i32
        %scan3A_98 = arith.addi %scan3A_96, %scan3A_97 : i32
        %scan3A_99 = arith.constant 1 : i32
        scf.for %scan3A_101 = %scan3A_96 to %scan3A_98 step %scan3A_99  : i32 {
          %mul3A_102 = arith.constant 1 : i32
          %mul3A_103 = arith.muli %scan3A_101, %mul3A_102 : i32
          %add3A_104 = arith.constant 0 : i32
          %add3A_105 = arith.addi %add3A_104, %mul3A_103 : i32
          %broadcast_in_dim3A = arith.constant 1.000000e+00 : f32
          %broadcast_in_dim3A_106 = vector.broadcast %broadcast_in_dim3A : f32 to vector<16xf32>
          %mul3A_107 = arith.constant 16 : i32
          %mul3A_108 = arith.muli %add3A_105, %mul3A_107 : i32
          %swap3A = arith.index_cast %add3A_95 : i32 to index
          %swap3A_109 = arith.index_cast %mul3A_108 : i32 to index
          %swap3A_110 = tpu.vector_load %arg8[%swap3A, %swap3A_109] {strides = array<i32>} : memref<128x128xf32, #tpu.memory_space<vmem>>, vector<1x16xf32>,
          %swap3A_111 = vector.shape_cast %swap3A_110 : vector<1x16xf32> to vector<16xf32>
          %swap3A_112 = vector.shape_cast %broadcast_in_dim3A_106 : vector<16xf32> to vector<1x16xf32>
          tpu.vector_store %arg8[%swap3A, %swap3A_109], %swap3A_112 {strides = array<i32>} : memref<128x128xf32, #tpu.memory_space<vmem>>, vector<1x16xf32>,
        }
        %scan3A_100 = arith.constant 8 : i32
      }
      %scan3A_45 = arith.constant 128 : i32
      %scan3A_46 = arith.constant 0 : i32
      %scan3A_47 = arith.constant 19 : i32
      %scan3A_48 = arith.addi %scan3A_46, %scan3A_47 : i32
      %scan3A_49 = arith.constant 1 : i32
      scf.for %scan3A_91 = %scan3A_46 to %scan3A_48 step %scan3A_49  : i32 {
        %mul3A_92 = arith.constant 1 : i32
        %mul3A_93 = arith.muli %scan3A_91, %mul3A_92 : i32
        %add3A_94 = arith.constant 0 : i32
        %add3A_95 = arith.addi %add3A_94, %mul3A_93 : i32
        %mul3A_96 = arith.constant 2 : i32
        %mul3A_97 = arith.muli %mul3A_96, %add3A_95 : i32
        %gt3A_98 = arith.constant 0 : i32
        %gt3A_99 = arith.cmpi sgt, %add3A_95, %gt3A_98 : i32
        %dma_wait3A_100 = arith.constant 0 : i32
        %dma_wait3A_101 = arith.constant 0 : i32
        %dma_wait3A_102 = arith.constant 0 : i32
        %dma_wait3A_103 = tpu.memref_slice %arg2[%dma_wait3A_100, %dma_wait3A_101, %dma_wait3A_102] : memref<1250x1x128xi32, #tpu.memory_space<hbm>> -> memref<1x1x128xi32, #tpu.memory_space<hbm>>
        %dma_wait3A_104 = tpu.memref_squeeze %dma_wait3A_103 : memref<1x1x128xi32, #tpu.memory_space<hbm>> -> memref<1x128xi32, #tpu.memory_space<hbm>>
        %dma_wait3A_105 = arith.constant 0 : i32
        %dma_wait3A_106 = arith.constant 0 : i32
        %dma_wait3A_107 = tpu.memref_slice %arg2[%dma_wait3A_100, %dma_wait3A_105, %dma_wait3A_106] : memref<1250x1x128xi32, #tpu.memory_space<hbm>> -> memref<1x1x128xi32, #tpu.memory_space<hbm>>
        %dma_wait3A_108 = tpu.memref_squeeze %dma_wait3A_107 : memref<1x1x128xi32, #tpu.memory_space<hbm>> -> memref<1x128xi32, #tpu.memory_space<hbm>>
        tpu.wait_dma2 semaphore(%arg10 : memref<!tpu.dma_semaphore, #tpu.memory_space<semaphore_mem>>) src(%dma_wait3A_108 : memref<1x128xi32, #tpu.memory_space<hbm>>) dst(%arg4 : memref<1x128xi32, #tpu.memory_space<vmem>>)
        %scan3A_109 = arith.constant 0 : i32
        %scan3A_110 = arith.constant 8 : i32
        %scan3A_111 = arith.addi %scan3A_109, %scan3A_110 : i32
        %scan3A_112 = arith.constant 1 : i32
        scf.for %scan3A_156 = %scan3A_109 to %scan3A_111 step %scan3A_112  : i32 {
          %mul3A_157 = arith.constant 1 : i32
          %mul3A_158 = arith.muli %scan3A_156, %mul3A_157 : i32
          %add3A_159 = arith.constant 0 : i32
          %add3A_160 = arith.addi %add3A_159, %mul3A_158 : i32
          %mul3A_161 = arith.constant 16 : i32
          %mul3A_162 = arith.muli %add3A_160, %mul3A_161 : i32
          %get3A = arith.constant 0 : i32
          %get3A_163 = arith.index_cast %get3A : i32 to index
          %get3A_164 = arith.index_cast %mul3A_162 : i32 to index
          %get3A_165 = tpu.vector_load %arg4[%get3A_163, %get3A_164] {strides = array<i32>} : memref<1x128xi32, #tpu.memory_space<vmem>>, vector<1x16xi32>,
          %get3A_166 = vector.shape_cast %get3A_165 : vector<1x16xi32> to vector<16xi32>
          %mul3A_167 = arith.constant 16 : i32
          %mul3A_168 = arith.muli %add3A_160, %mul3A_167 : i32
          %swap3A = arith.index_cast %mul3A_168 : i32 to index
          %swap3A_169 = tpu.vector_load %arg6[%swap3A] {strides = array<i32>} : memref<128xi32, #tpu.memory_space<vmem>>, vector<16xi32>,
          %swap3A_170 = vector.shape_cast %swap3A_169 : vector<16xi32> to vector<16xi32>
          %swap3A_171 = vector.shape_cast %get3A_166 : vector<16xi32> to vector<16xi32>
          tpu.vector_store %arg6[%swap3A], %swap3A_171 {strides = array<i32>} : memref<128xi32, #tpu.memory_space<vmem>>, vector<16xi32>,
        }
        %scan3A_113 = arith.constant 8 : i32
        %convert_element_type3A_114 = arith.extui %gt3A_99 : i1 to i32
        %cond3A_115 = arith.constant 0 : i32
        %cond3A_116 = arith.cmpi ne, %convert_element_type3A_114, %cond3A_115 : i32
        scf.if %cond3A_116 {
          %dma_wait3A_156 = arith.constant 0 : i32
          %dma_wait3A_157 = arith.constant 0 : i32
          %dma_wait3A_158 = tpu.memref_slice %arg9[%dma_wait3A_156, %dma_wait3A_157] : memref<10240x128xf32, #tpu.memory_space<vmem_shared>> -> memref<10240x128xf32, #tpu.memory_space<vmem_shared>>
          tpu.wait_indirect_dma semaphore(%arg12 : memref<!tpu.dma_semaphore, #tpu.memory_space<semaphore_mem>>) src(%arg8 : memref<128x128xf32, #tpu.memory_space<vmem>>) dst(%dma_wait3A_158 : memref<10240x128xf32, #tpu.memory_space<vmem_shared>>)
        } else {
        }
        %dma_start3A_117 = arith.constant 0 : i32
        %dma_start3A_118 = arith.constant 0 : i32
        %dma_start3A_119 = tpu.memref_slice %arg9[%dma_start3A_117, %dma_start3A_118] : memref<10240x128xf32, #tpu.memory_space<vmem_shared>> -> memref<10240x128xf32, #tpu.memory_space<vmem_shared>>
        tpu.enqueue_indirect_dma source(%arg8 : memref<128x128xf32, #tpu.memory_space<vmem>>) target(%dma_start3A_119 : memref<10240x128xf32, #tpu.memory_space<vmem_shared>>) offsets(%arg6 : memref<128xi32, #tpu.memory_space<vmem>>) semaphore(%arg12 : memref<!tpu.dma_semaphore, #tpu.memory_space<semaphore_mem>>) {add = true}
        %add3A_120 = arith.constant 2 : i32
        %add3A_121 = arith.addi %mul3A_97, %add3A_120 : i32
        %lt3A_122 = arith.cmpi slt, %add3A_121, %select_n3A : i32
        %convert_element_type3A_123 = arith.extui %lt3A_122 : i1 to i32
        %cond3A_124 = arith.constant 0 : i32
        %cond3A_125 = arith.cmpi ne, %convert_element_type3A_123, %cond3A_124 : i32
        scf.if %cond3A_125 {
          %add3A_156 = arith.constant 2 : i32
          %add3A_157 = arith.addi %mul3A_97, %add3A_156 : i32
          %add3A_158 = arith.addi %add3A_12, %add3A_157 : i32
          %dma_start3A_159 = arith.constant 0 : i32
          %dma_start3A_160 = arith.constant 0 : i32
          %dma_start3A_161 = tpu.memref_slice %arg2[%add3A_158, %dma_start3A_159, %dma_start3A_160] : memref<1250x1x128xi32, #tpu.memory_space<hbm>> -> memref<1x1x128xi32, #tpu.memory_space<hbm>>
          %dma_start3A_162 = tpu.memref_squeeze %dma_start3A_161 : memref<1x1x128xi32, #tpu.memory_space<hbm>> -> memref<1x128xi32, #tpu.memory_space<hbm>>
          %dma_start3A_163 = arith.constant 0 : i32
          %dma_start3A_164 = arith.constant 0 : i32
          %dma_start3A_165 = tpu.memref_slice %arg2[%add3A_158, %dma_start3A_163, %dma_start3A_164] : memref<1250x1x128xi32, #tpu.memory_space<hbm>> -> memref<1x1x128xi32, #tpu.memory_space<hbm>>
          %dma_start3A_166 = tpu.memref_squeeze %dma_start3A_165 : memref<1x1x128xi32, #tpu.memory_space<hbm>> -> memref<1x128xi32, #tpu.memory_space<hbm>>
          tpu.enqueue_dma source(%dma_start3A_166 : memref<1x128xi32, #tpu.memory_space<hbm>>) target(%arg4 : memref<1x128xi32, #tpu.memory_space<vmem>>) target_semaphore(%arg10 : memref<!tpu.dma_semaphore, #tpu.memory_space<semaphore_mem>>)
        } else {
        }
        %add3A_126 = arith.constant 1 : i32
        %add3A_127 = arith.addi %mul3A_97, %add3A_126 : i32
        %gt3A_128 = arith.constant 0 : i32
        %gt3A_129 = arith.cmpi sgt, %add3A_95, %gt3A_128 : i32
        %dma_wait3A_130 = arith.constant 0 : i32
        %dma_wait3A_131 = arith.constant 0 : i32
        %dma_wait3A_132 = arith.constant 0 : i32
        %dma_wait3A_133 = tpu.memref_slice %arg2[%dma_wait3A_130, %dma_wait3A_131, %dma_wait3A_132] : memref<1250x1x128xi32, #tpu.memory_space<hbm>> -> memref<1x1x128xi32, #tpu.memory_space<hbm>>
        %dma_wait3A_134 = tpu.memref_squeeze %dma_wait3A_133 : memref<1x1x128xi32, #tpu.memory_space<hbm>> -> memref<1x128xi32, #tpu.memory_space<hbm>>
        %dma_wait3A_135 = arith.constant 0 : i32
        %dma_wait3A_136 = arith.constant 0 : i32
        %dma_wait3A_137 = tpu.memref_slice %arg2[%dma_wait3A_130, %dma_wait3A_135, %dma_wait3A_136] : memref<1250x1x128xi32, #tpu.memory_space<hbm>> -> memref<1x1x128xi32, #tpu.memory_space<hbm>>
        %dma_wait3A_138 = tpu.memref_squeeze %dma_wait3A_137 : memref<1x1x128xi32, #tpu.memory_space<hbm>> -> memref<1x128xi32, #tpu.memory_space<hbm>>
        tpu.wait_dma2 semaphore(%arg11 : memref<!tpu.dma_semaphore, #tpu.memory_space<semaphore_mem>>) src(%dma_wait3A_138 : memref<1x128xi32, #tpu.memory_space<hbm>>) dst(%arg5 : memref<1x128xi32, #tpu.memory_space<vmem>>)
        %scan3A_139 = arith.constant 0 : i32
        %scan3A_140 = arith.constant 8 : i32
        %scan3A_141 = arith.addi %scan3A_139, %scan3A_140 : i32
        %scan3A_142 = arith.constant 1 : i32
        scf.for %scan3A_156 = %scan3A_139 to %scan3A_141 step %scan3A_142  : i32 {
          %mul3A_157 = arith.constant 1 : i32
          %mul3A_158 = arith.muli %scan3A_156, %mul3A_157 : i32
          %add3A_159 = arith.constant 0 : i32
          %add3A_160 = arith.addi %add3A_159, %mul3A_158 : i32
          %mul3A_161 = arith.constant 16 : i32
          %mul3A_162 = arith.muli %add3A_160, %mul3A_161 : i32
          %get3A = arith.constant 0 : i32
          %get3A_163 = arith.index_cast %get3A : i32 to index
          %get3A_164 = arith.index_cast %mul3A_162 : i32 to index
          %get3A_165 = tpu.vector_load %arg5[%get3A_163, %get3A_164] {strides = array<i32>} : memref<1x128xi32, #tpu.memory_space<vmem>>, vector<1x16xi32>,
          %get3A_166 = vector.shape_cast %get3A_165 : vector<1x16xi32> to vector<16xi32>
          %mul3A_167 = arith.constant 16 : i32
          %mul3A_168 = arith.muli %add3A_160, %mul3A_167 : i32
          %swap3A = arith.index_cast %mul3A_168 : i32 to index
          %swap3A_169 = tpu.vector_load %arg7[%swap3A] {strides = array<i32>} : memref<128xi32, #tpu.memory_space<vmem>>, vector<16xi32>,
          %swap3A_170 = vector.shape_cast %swap3A_169 : vector<16xi32> to vector<16xi32>
          %swap3A_171 = vector.shape_cast %get3A_166 : vector<16xi32> to vector<16xi32>
          tpu.vector_store %arg7[%swap3A], %swap3A_171 {strides = array<i32>} : memref<128xi32, #tpu.memory_space<vmem>>, vector<16xi32>,
        }
        %scan3A_143 = arith.constant 8 : i32
        %convert_element_type3A_144 = arith.extui %gt3A_129 : i1 to i32
        %cond3A_145 = arith.constant 0 : i32
        %cond3A_146 = arith.cmpi ne, %convert_element_type3A_144, %cond3A_145 : i32
        scf.if %cond3A_146 {
          %dma_wait3A_156 = arith.constant 0 : i32
          %dma_wait3A_157 = arith.constant 0 : i32
          %dma_wait3A_158 = tpu.memref_slice %arg9[%dma_wait3A_156, %dma_wait3A_157] : memref<10240x128xf32, #tpu.memory_space<vmem_shared>> -> memref<10240x128xf32, #tpu.memory_space<vmem_shared>>
          tpu.wait_indirect_dma semaphore(%arg13 : memref<!tpu.dma_semaphore, #tpu.memory_space<semaphore_mem>>) src(%arg8 : memref<128x128xf32, #tpu.memory_space<vmem>>) dst(%dma_wait3A_158 : memref<10240x128xf32, #tpu.memory_space<vmem_shared>>)
        } else {
        }
        %dma_start3A_147 = arith.constant 0 : i32
        %dma_start3A_148 = arith.constant 0 : i32
        %dma_start3A_149 = tpu.memref_slice %arg9[%dma_start3A_147, %dma_start3A_148] : memref<10240x128xf32, #tpu.memory_space<vmem_shared>> -> memref<10240x128xf32, #tpu.memory_space<vmem_shared>>
        tpu.enqueue_indirect_dma source(%arg8 : memref<128x128xf32, #tpu.memory_space<vmem>>) target(%dma_start3A_149 : memref<10240x128xf32, #tpu.memory_space<vmem_shared>>) offsets(%arg7 : memref<128xi32, #tpu.memory_space<vmem>>) semaphore(%arg13 : memref<!tpu.dma_semaphore, #tpu.memory_space<semaphore_mem>>) {add = true}
        %add3A_150 = arith.constant 2 : i32
        %add3A_151 = arith.addi %add3A_127, %add3A_150 : i32
        %lt3A_152 = arith.cmpi slt, %add3A_151, %select_n3A : i32
        %convert_element_type3A_153 = arith.extui %lt3A_152 : i1 to i32
        %cond3A_154 = arith.constant 0 : i32
        %cond3A_155 = arith.cmpi ne, %convert_element_type3A_153, %cond3A_154 : i32
        scf.if %cond3A_155 {
          %add3A_156 = arith.constant 2 : i32
          %add3A_157 = arith.addi %add3A_127, %add3A_156 : i32
          %add3A_158 = arith.addi %add3A_12, %add3A_157 : i32
          %dma_start3A_159 = arith.constant 0 : i32
          %dma_start3A_160 = arith.constant 0 : i32
          %dma_start3A_161 = tpu.memref_slice %arg2[%add3A_158, %dma_start3A_159, %dma_start3A_160] : memref<1250x1x128xi32, #tpu.memory_space<hbm>> -> memref<1x1x128xi32, #tpu.memory_space<hbm>>
          %dma_start3A_162 = tpu.memref_squeeze %dma_start3A_161 : memref<1x1x128xi32, #tpu.memory_space<hbm>> -> memref<1x128xi32, #tpu.memory_space<hbm>>
          %dma_start3A_163 = arith.constant 0 : i32
          %dma_start3A_164 = arith.constant 0 : i32
          %dma_start3A_165 = tpu.memref_slice %arg2[%add3A_158, %dma_start3A_163, %dma_start3A_164] : memref<1250x1x128xi32, #tpu.memory_space<hbm>> -> memref<1x1x128xi32, #tpu.memory_space<hbm>>
          %dma_start3A_166 = tpu.memref_squeeze %dma_start3A_165 : memref<1x1x128xi32, #tpu.memory_space<hbm>> -> memref<1x128xi32, #tpu.memory_space<hbm>>
          tpu.enqueue_dma source(%dma_start3A_166 : memref<1x128xi32, #tpu.memory_space<hbm>>) target(%arg5 : memref<1x128xi32, #tpu.memory_space<vmem>>) target_semaphore(%arg11 : memref<!tpu.dma_semaphore, #tpu.memory_space<semaphore_mem>>)
        } else {
        }
      }
      %scan3A_50 = arith.constant 19 : i32
      %dma_wait3A = arith.constant 0 : i32
      %dma_wait3A_51 = arith.constant 0 : i32
      %dma_wait3A_52 = arith.constant 0 : i32
      %dma_wait3A_53 = tpu.memref_slice %arg2[%dma_wait3A, %dma_wait3A_51, %dma_wait3A_52] : memref<1250x1x128xi32, #tpu.memory_space<hbm>> -> memref<1x1x128xi32, #tpu.memory_space<hbm>>
      %dma_wait3A_54 = tpu.memref_squeeze %dma_wait3A_53 : memref<1x1x128xi32, #tpu.memory_space<hbm>> -> memref<1x128xi32, #tpu.memory_space<hbm>>
      %dma_wait3A_55 = arith.constant 0 : i32
      %dma_wait3A_56 = arith.constant 0 : i32
      %dma_wait3A_57 = tpu.memref_slice %arg2[%dma_wait3A, %dma_wait3A_55, %dma_wait3A_56] : memref<1250x1x128xi32, #tpu.memory_space<hbm>> -> memref<1x1x128xi32, #tpu.memory_space<hbm>>
      %dma_wait3A_58 = tpu.memref_squeeze %dma_wait3A_57 : memref<1x1x128xi32, #tpu.memory_space<hbm>> -> memref<1x128xi32, #tpu.memory_space<hbm>>
      tpu.wait_dma2 semaphore(%arg10 : memref<!tpu.dma_semaphore, #tpu.memory_space<semaphore_mem>>) src(%dma_wait3A_58 : memref<1x128xi32, #tpu.memory_space<hbm>>) dst(%arg4 : memref<1x128xi32, #tpu.memory_space<vmem>>)
      %scan3A_59 = arith.constant 0 : i32
      %scan3A_60 = arith.constant 8 : i32
      %scan3A_61 = arith.addi %scan3A_59, %scan3A_60 : i32
      %scan3A_62 = arith.constant 1 : i32
      scf.for %scan3A_91 = %scan3A_59 to %scan3A_61 step %scan3A_62  : i32 {
        %mul3A_92 = arith.constant 1 : i32
        %mul3A_93 = arith.muli %scan3A_91, %mul3A_92 : i32
        %add3A_94 = arith.constant 0 : i32
        %add3A_95 = arith.addi %add3A_94, %mul3A_93 : i32
        %mul3A_96 = arith.constant 16 : i32
        %mul3A_97 = arith.muli %add3A_95, %mul3A_96 : i32
        %get3A = arith.constant 0 : i32
        %get3A_98 = arith.index_cast %get3A : i32 to index
        %get3A_99 = arith.index_cast %mul3A_97 : i32 to index
        %get3A_100 = tpu.vector_load %arg4[%get3A_98, %get3A_99] {strides = array<i32>} : memref<1x128xi32, #tpu.memory_space<vmem>>, vector<1x16xi32>,
        %get3A_101 = vector.shape_cast %get3A_100 : vector<1x16xi32> to vector<16xi32>
        %mul3A_102 = arith.constant 16 : i32
        %mul3A_103 = arith.muli %add3A_95, %mul3A_102 : i32
        %swap3A = arith.index_cast %mul3A_103 : i32 to index
        %swap3A_104 = tpu.vector_load %arg6[%swap3A] {strides = array<i32>} : memref<128xi32, #tpu.memory_space<vmem>>, vector<16xi32>,
        %swap3A_105 = vector.shape_cast %swap3A_104 : vector<16xi32> to vector<16xi32>
        %swap3A_106 = vector.shape_cast %get3A_101 : vector<16xi32> to vector<16xi32>
        tpu.vector_store %arg6[%swap3A], %swap3A_106 {strides = array<i32>} : memref<128xi32, #tpu.memory_space<vmem>>, vector<16xi32>,
      }
      %scan3A_63 = arith.constant 8 : i32
      %cond3A_64 = arith.constant 1 : i32
      %dma_wait3A_65 = arith.constant 0 : i32
      %dma_wait3A_66 = arith.constant 0 : i32
      %dma_wait3A_67 = tpu.memref_slice %arg9[%dma_wait3A_65, %dma_wait3A_66] : memref<10240x128xf32, #tpu.memory_space<vmem_shared>> -> memref<10240x128xf32, #tpu.memory_space<vmem_shared>>
      tpu.wait_indirect_dma semaphore(%arg12 : memref<!tpu.dma_semaphore, #tpu.memory_space<semaphore_mem>>) src(%arg8 : memref<128x128xf32, #tpu.memory_space<vmem>>) dst(%dma_wait3A_67 : memref<10240x128xf32, #tpu.memory_space<vmem_shared>>)
      %dma_start3A_68 = arith.constant 0 : i32
      %dma_start3A_69 = arith.constant 0 : i32
      %dma_start3A_70 = tpu.memref_slice %arg9[%dma_start3A_68, %dma_start3A_69] : memref<10240x128xf32, #tpu.memory_space<vmem_shared>> -> memref<10240x128xf32, #tpu.memory_space<vmem_shared>>
      tpu.enqueue_indirect_dma source(%arg8 : memref<128x128xf32, #tpu.memory_space<vmem>>) target(%dma_start3A_70 : memref<10240x128xf32, #tpu.memory_space<vmem_shared>>) offsets(%arg6 : memref<128xi32, #tpu.memory_space<vmem>>) semaphore(%arg12 : memref<!tpu.dma_semaphore, #tpu.memory_space<semaphore_mem>>) {add = true}
      %gt3A = arith.constant 40 : i32
      %gt3A_71 = arith.cmpi sgt, %select_n3A, %gt3A : i32
      %convert_element_type3A_72 = arith.extui %gt3A_71 : i1 to i32
      %cond3A_73 = arith.constant 0 : i32
      %cond3A_74 = arith.cmpi ne, %convert_element_type3A_72, %cond3A_73 : i32
      scf.if %cond3A_74 {
        %add3A_91 = arith.constant 40 : i32
        %add3A_92 = arith.addi %add3A_12, %add3A_91 : i32
        %dma_start3A_93 = arith.constant 0 : i32
        %dma_start3A_94 = arith.constant 0 : i32
        %dma_start3A_95 = tpu.memref_slice %arg2[%add3A_92, %dma_start3A_93, %dma_start3A_94] : memref<1250x1x128xi32, #tpu.memory_space<hbm>> -> memref<1x1x128xi32, #tpu.memory_space<hbm>>
        %dma_start3A_96 = tpu.memref_squeeze %dma_start3A_95 : memref<1x1x128xi32, #tpu.memory_space<hbm>> -> memref<1x128xi32, #tpu.memory_space<hbm>>
        %dma_start3A_97 = arith.constant 0 : i32
        %dma_start3A_98 = arith.constant 0 : i32
        %dma_start3A_99 = tpu.memref_slice %arg2[%add3A_92, %dma_start3A_97, %dma_start3A_98] : memref<1250x1x128xi32, #tpu.memory_space<hbm>> -> memref<1x1x128xi32, #tpu.memory_space<hbm>>
        %dma_start3A_100 = tpu.memref_squeeze %dma_start3A_99 : memref<1x1x128xi32, #tpu.memory_space<hbm>> -> memref<1x128xi32, #tpu.memory_space<hbm>>
        tpu.enqueue_dma source(%dma_start3A_100 : memref<1x128xi32, #tpu.memory_space<hbm>>) target(%arg4 : memref<1x128xi32, #tpu.memory_space<vmem>>) target_semaphore(%arg10 : memref<!tpu.dma_semaphore, #tpu.memory_space<semaphore_mem>>)
      } else {
      }
      %gt3A_75 = arith.constant 39 : i32
      %gt3A_76 = arith.cmpi sgt, %select_n3A, %gt3A_75 : i32
      %convert_element_type3A_77 = arith.extui %gt3A_76 : i1 to i32
      %cond3A_78 = arith.constant 0 : i32
      %cond3A_79 = arith.cmpi ne, %convert_element_type3A_77, %cond3A_78 : i32
      scf.if %cond3A_79 {
        %dma_wait3A_91 = arith.constant 0 : i32
        %dma_wait3A_92 = arith.constant 0 : i32
        %dma_wait3A_93 = arith.constant 0 : i32
        %dma_wait3A_94 = tpu.memref_slice %arg2[%dma_wait3A_91, %dma_wait3A_92, %dma_wait3A_93] : memref<1250x1x128xi32, #tpu.memory_space<hbm>> -> memref<1x1x128xi32, #tpu.memory_space<hbm>>
        %dma_wait3A_95 = tpu.memref_squeeze %dma_wait3A_94 : memref<1x1x128xi32, #tpu.memory_space<hbm>> -> memref<1x128xi32, #tpu.memory_space<hbm>>
        %dma_wait3A_96 = arith.constant 0 : i32
        %dma_wait3A_97 = arith.constant 0 : i32
        %dma_wait3A_98 = tpu.memref_slice %arg2[%dma_wait3A_91, %dma_wait3A_96, %dma_wait3A_97] : memref<1250x1x128xi32, #tpu.memory_space<hbm>> -> memref<1x1x128xi32, #tpu.memory_space<hbm>>
        %dma_wait3A_99 = tpu.memref_squeeze %dma_wait3A_98 : memref<1x1x128xi32, #tpu.memory_space<hbm>> -> memref<1x128xi32, #tpu.memory_space<hbm>>
        tpu.wait_dma2 semaphore(%arg11 : memref<!tpu.dma_semaphore, #tpu.memory_space<semaphore_mem>>) src(%dma_wait3A_99 : memref<1x128xi32, #tpu.memory_space<hbm>>) dst(%arg5 : memref<1x128xi32, #tpu.memory_space<vmem>>)
        %scan3A_100 = arith.constant 0 : i32
        %scan3A_101 = arith.constant 8 : i32
        %scan3A_102 = arith.addi %scan3A_100, %scan3A_101 : i32
        %scan3A_103 = arith.constant 1 : i32
        scf.for %scan3A_117 = %scan3A_100 to %scan3A_102 step %scan3A_103  : i32 {
          %mul3A_118 = arith.constant 1 : i32
          %mul3A_119 = arith.muli %scan3A_117, %mul3A_118 : i32
          %add3A_120 = arith.constant 0 : i32
          %add3A_121 = arith.addi %add3A_120, %mul3A_119 : i32
          %mul3A_122 = arith.constant 16 : i32
          %mul3A_123 = arith.muli %add3A_121, %mul3A_122 : i32
          %get3A = arith.constant 0 : i32
          %get3A_124 = arith.index_cast %get3A : i32 to index
          %get3A_125 = arith.index_cast %mul3A_123 : i32 to index
          %get3A_126 = tpu.vector_load %arg5[%get3A_124, %get3A_125] {strides = array<i32>} : memref<1x128xi32, #tpu.memory_space<vmem>>, vector<1x16xi32>,
          %get3A_127 = vector.shape_cast %get3A_126 : vector<1x16xi32> to vector<16xi32>
          %mul3A_128 = arith.constant 16 : i32
          %mul3A_129 = arith.muli %add3A_121, %mul3A_128 : i32
          %swap3A = arith.index_cast %mul3A_129 : i32 to index
          %swap3A_130 = tpu.vector_load %arg7[%swap3A] {strides = array<i32>} : memref<128xi32, #tpu.memory_space<vmem>>, vector<16xi32>,
          %swap3A_131 = vector.shape_cast %swap3A_130 : vector<16xi32> to vector<16xi32>
          %swap3A_132 = vector.shape_cast %get3A_127 : vector<16xi32> to vector<16xi32>
          tpu.vector_store %arg7[%swap3A], %swap3A_132 {strides = array<i32>} : memref<128xi32, #tpu.memory_space<vmem>>, vector<16xi32>,
        }
        %scan3A_104 = arith.constant 8 : i32
        %cond3A_105 = arith.constant 1 : i32
        %dma_wait3A_106 = arith.constant 0 : i32
        %dma_wait3A_107 = arith.constant 0 : i32
        %dma_wait3A_108 = tpu.memref_slice %arg9[%dma_wait3A_106, %dma_wait3A_107] : memref<10240x128xf32, #tpu.memory_space<vmem_shared>> -> memref<10240x128xf32, #tpu.memory_space<vmem_shared>>
        tpu.wait_indirect_dma semaphore(%arg13 : memref<!tpu.dma_semaphore, #tpu.memory_space<semaphore_mem>>) src(%arg8 : memref<128x128xf32, #tpu.memory_space<vmem>>) dst(%dma_wait3A_108 : memref<10240x128xf32, #tpu.memory_space<vmem_shared>>)
        %dma_start3A_109 = arith.constant 0 : i32
        %dma_start3A_110 = arith.constant 0 : i32
        %dma_start3A_111 = tpu.memref_slice %arg9[%dma_start3A_109, %dma_start3A_110] : memref<10240x128xf32, #tpu.memory_space<vmem_shared>> -> memref<10240x128xf32, #tpu.memory_space<vmem_shared>>
        tpu.enqueue_indirect_dma source(%arg8 : memref<128x128xf32, #tpu.memory_space<vmem>>) target(%dma_start3A_111 : memref<10240x128xf32, #tpu.memory_space<vmem_shared>>) offsets(%arg7 : memref<128xi32, #tpu.memory_space<vmem>>) semaphore(%arg13 : memref<!tpu.dma_semaphore, #tpu.memory_space<semaphore_mem>>) {add = true}
        %gt3A_112 = arith.constant 41 : i32
        %gt3A_113 = arith.cmpi sgt, %select_n3A, %gt3A_112 : i32
        %convert_element_type3A_114 = arith.extui %gt3A_113 : i1 to i32
        %cond3A_115 = arith.constant 0 : i32
        %cond3A_116 = arith.cmpi ne, %convert_element_type3A_114, %cond3A_115 : i32
        scf.if %cond3A_116 {
          %add3A_117 = arith.constant 41 : i32
          %add3A_118 = arith.addi %add3A_12, %add3A_117 : i32
          %dma_start3A_119 = arith.constant 0 : i32
          %dma_start3A_120 = arith.constant 0 : i32
          %dma_start3A_121 = tpu.memref_slice %arg2[%add3A_118, %dma_start3A_119, %dma_start3A_120] : memref<1250x1x128xi32, #tpu.memory_space<hbm>> -> memref<1x1x128xi32, #tpu.memory_space<hbm>>
          %dma_start3A_122 = tpu.memref_squeeze %dma_start3A_121 : memref<1x1x128xi32, #tpu.memory_space<hbm>> -> memref<1x128xi32, #tpu.memory_space<hbm>>
          %dma_start3A_123 = arith.constant 0 : i32
          %dma_start3A_124 = arith.constant 0 : i32
          %dma_start3A_125 = tpu.memref_slice %arg2[%add3A_118, %dma_start3A_123, %dma_start3A_124] : memref<1250x1x128xi32, #tpu.memory_space<hbm>> -> memref<1x1x128xi32, #tpu.memory_space<hbm>>
          %dma_start3A_126 = tpu.memref_squeeze %dma_start3A_125 : memref<1x1x128xi32, #tpu.memory_space<hbm>> -> memref<1x128xi32, #tpu.memory_space<hbm>>
          tpu.enqueue_dma source(%dma_start3A_126 : memref<1x128xi32, #tpu.memory_space<hbm>>) target(%arg5 : memref<1x128xi32, #tpu.memory_space<vmem>>) target_semaphore(%arg11 : memref<!tpu.dma_semaphore, #tpu.memory_space<semaphore_mem>>)
        } else {
        }
      } else {
      }
      %dma_wait3A_80 = arith.constant 0 : i32
      %dma_wait3A_81 = arith.constant 0 : i32
      %dma_wait3A_82 = tpu.memref_slice %arg9[%dma_wait3A_80, %dma_wait3A_81] : memref<10240x128xf32, #tpu.memory_space<vmem_shared>> -> memref<10240x128xf32, #tpu.memory_space<vmem_shared>>
      tpu.wait_indirect_dma semaphore(%arg12 : memref<!tpu.dma_semaphore, #tpu.memory_space<semaphore_mem>>) src(%arg8 : memref<128x128xf32, #tpu.memory_space<vmem>>) dst(%dma_wait3A_82 : memref<10240x128xf32, #tpu.memory_space<vmem_shared>>)
      %dma_wait3A_83 = arith.constant 0 : i32
      %dma_wait3A_84 = arith.constant 0 : i32
      %dma_wait3A_85 = tpu.memref_slice %arg9[%dma_wait3A_83, %dma_wait3A_84] : memref<10240x128xf32, #tpu.memory_space<vmem_shared>> -> memref<10240x128xf32, #tpu.memory_space<vmem_shared>>
      tpu.wait_indirect_dma semaphore(%arg13 : memref<!tpu.dma_semaphore, #tpu.memory_space<semaphore_mem>>) src(%arg8 : memref<128x128xf32, #tpu.memory_space<vmem>>) dst(%dma_wait3A_85 : memref<10240x128xf32, #tpu.memory_space<vmem_shared>>)
      %barrier3A_86 = arith.constant 0 : index
      tpu.barrier barrier_id(%barrier3A_86)
      %mul3A_87 = arith.constant 640 : i32
      %mul3A_88 = arith.muli %arg1, %mul3A_87 : i32
      %mul3A_89 = arith.constant 640 : i32
      %mul3A_90 = arith.muli %arg1, %mul3A_89 : i32
      %run_scoped3A = arith.constant 1 : i32
      "tpu.region"() ({
        %run_scoped3A_91 = tpu.sem_alloc : memref<!tpu.dma_semaphore, #tpu.memory_space<semaphore_mem>>
        %dma_start3A_92 = arith.constant 0 : i32
        %dma_start3A_93 = tpu.memref_slice %arg3[%run_scoped3A, %mul3A_90, %dma_start3A_92] : memref<2x10240x128xf32, #tpu.memory_space<hbm>> -> memref<1x640x128xf32, #tpu.memory_space<hbm>>
        %dma_start3A_94 = tpu.memref_squeeze %dma_start3A_93 : memref<1x640x128xf32, #tpu.memory_space<hbm>> -> memref<640x128xf32, #tpu.memory_space<hbm>>
        %dma_start3A_95 = arith.constant 0 : i32
        %dma_start3A_96 = tpu.memref_slice %arg9[%mul3A_88, %dma_start3A_95] : memref<10240x128xf32, #tpu.memory_space<vmem_shared>> -> memref<640x128xf32, #tpu.memory_space<vmem_shared>>
        tpu.enqueue_dma source(%dma_start3A_96 : memref<640x128xf32, #tpu.memory_space<vmem_shared>>) target(%dma_start3A_94 : memref<640x128xf32, #tpu.memory_space<hbm>>) target_semaphore(%run_scoped3A_91 : memref<!tpu.dma_semaphore, #tpu.memory_space<semaphore_mem>>)
        %dma_wait3A_97 = arith.constant 0 : i32
        %dma_wait3A_98 = tpu.memref_slice %arg3[%run_scoped3A, %mul3A_90, %dma_wait3A_97] : memref<2x10240x128xf32, #tpu.memory_space<hbm>> -> memref<1x640x128xf32, #tpu.memory_space<hbm>>
        %dma_wait3A_99 = tpu.memref_squeeze %dma_wait3A_98 : memref<1x640x128xf32, #tpu.memory_space<hbm>> -> memref<640x128xf32, #tpu.memory_space<hbm>>
        %dma_wait3A_100 = arith.constant 0 : i32
        %dma_wait3A_101 = tpu.memref_slice %arg9[%mul3A_88, %dma_wait3A_100] : memref<10240x128xf32, #tpu.memory_space<vmem_shared>> -> memref<640x128xf32, #tpu.memory_space<vmem_shared>>
        tpu.wait_dma2 semaphore(%run_scoped3A_91 : memref<!tpu.dma_semaphore, #tpu.memory_space<semaphore_mem>>) src(%dma_wait3A_101 : memref<640x128xf32, #tpu.memory_space<vmem_shared>>) dst(%dma_wait3A_99 : memref<640x128xf32, #tpu.memory_space<hbm>>)
        tpu.yield
      }) : () -> ()
    } else {
    }
    return
  }
}

</mosaic_0001>

<sc_bundles>
// kernel: _sc_degree.3.cloned.1.call-start
scs
__scs_entry_jumppad:
0x0: {  	(pc) =	sbr.rel $0x88, $3  }
0x1: {  	(tag) =	ssettag $0x0;
	lr =	simm.s32 $0x1  }
0x2: {  	[smem:$0x3FA0] =	sst lr;
	_ =	strace $0xD0000000  }
0x3: {  	_ = 	snop  }
0x4: {  	_ = 	snop  }
0x5: {  	_ = 	snop  }
0x6: {  	_ = 	snop  }
0x7: {  	_ = 	snop  }
__scs_overlays_trampoline_lowered:
0x8: {  	[smem:$0x3FAF] =	sst s0  }
0x9: {  	[smem:$0x3FB0] =	sst s1  }
0xa: {  	[smem:$0x3FB1] =	sst s2  }
0xb: {  	[smem:$0x3FB2] =	sst s3  }
0xc: {  	[smem:$0x3FB3] =	sst s4  }
0xd: {  	[smem:$0x3FB4] =	sst s5  }
0xe: {  	[smem:$0x3FB5] =	sst s6  }
0xf: {  	[smem:$0x3FB6] =	sst s7  }
0x10: {  	[smem:$0x3FB7] =	sst s8  }
0x11: {  	[smem:$0x3FB8] =	sst s9;
	s0 =	simm.s32 @!p0 $0x0  }
0x12: {  	s1 =	sld [smem:$0x3F9E];
	s0 =	simm.s32 @p0 $0x1  }
0x13: {  	[smem:$0x3FB9] =	sst s0;
	s0 =	simm.s32 @!p1 $0x0  }
0x14: {  	s2 =	sld [smem:$0x3F9D];
	s0 =	simm.s32 @p1 $0x1  }
0x15: {  	[smem:$0x3FBA] =	sst s0;
	s0 =	simm.s32 @!p2 $0x0  }
0x16: {  	s3 =	sld [smem:$0x3FDB];
	s0 =	simm.s32 @p2 $0x1  }
0x17: {  	s4 =	simm.s32 $0x1BF5;
	[smem:$0x3FBC] =	sst s0  }
0x18: {  	s0 =	sld [smem:$0x3F9F];
	_ =	swait.ge [sflag:s4], $0x0  }
0x19: {  	s7 =	sld [smem:$0x3FA0]  }
0x1a: {  	s8 =	sadd.s32 $0xFFFFE003, lr  }
0x1b: {  	s9 =	sadd.s32 $0xFFFFFEF7, lr;
	s5 =	simm.s32 $0xFFFFFFFF;
	p2 =	slt.u32 s8, $0xFFFFF086  }
0x1c: {  	p1 =	slt.u32 s9, $0xF7A;
	s5 =	simm.s32 @!p2 $0x0  }
0x1d: {  	s5 =	simm.s32 @p1 $0x1;
	p0 =	seq.s32 s7, s2  }
0x1e: {  	s7 =	smul.u32 @!p0 $0xF7A, s2;
	p2 =	seq.s32 @!p0 s5, $0x0  }
0x1f: {  	s9 =	smul.u32 $0xF7A, s1;
	s8 =	simm.s32 @!p0 $0x1BF5;
	p2 =	por !p2, p0  }
0x20: {  	[sflag:s8] =	ssyncset.s32 @!p0 $0xFFFFF086;
	s6 =	sadd.s32 @!p0 s3, s7;
	s7 =	simm.s32 @!p0 $0x108  }
0x21: {  	s3 =	sadd.s32 s3, s9;
	s6 =	sadd.s32 @!p0 $0x88, s6;
	s7 =	simm.s32 @p2 $0x1082  }
0x22: {  	[simem:s7], [sflag:s8] =	dma.local @!p0 [hbm:s6], $0xF7A  }
0x23: {  	s9 =	sor.u32 $0xD0000000, s2;
	s6 =	simm.s32 $0x108;
	_ =	swait.ge @!p0 [sflag:s8], $0x0  }
0x24: {  	s3 =	sadd.s32 $0x88, s3;
	s6 =	simm.s32 @!p1 $0x1082;
	[sflag:s4] =	ssyncset.s32 $0xFFFFF086  }
0x25: {  	[simem:s6], [sflag:s4] =	dma.local [hbm:s3], $0xF7A  }
0x26: {  	[smem:$0x3FA0] =	sst s1;
	(tag) =	ssettag s2;
	_ =	strace s9  }
0x27: {  	s1 =	sld [smem:$0x3FB0]  }
0x28: {  	s2 =	sld [smem:$0x3FB1]  }
0x29: {  	s4 =	sld [smem:$0x3FB3]  }
0x2a: {  	p0 =	seq.s32 s5, $0x0;
	s5 =	sld [smem:$0x3FB4]  }
0x2b: {  	s6 =	sld [smem:$0x3FB5]  }
0x2c: {  	s7 =	sld [smem:$0x3FB6]  }
0x2d: {  	s3 =	simm.s32 $0x108;
	s8 =	sld [smem:$0x3FB7]  }
0x2e: {  	s3 =	simm.s32 @!p0 $0x1082;
	s9 =	sld [smem:$0x3FB8]  }
0x2f: {  	lr =	sadd.s32 s0, s3;
	s0 =	sld [smem:$0x3FAF]  }
0x30: {  	s3 =	sld [smem:$0x3FB2]  }
0x31: {  	[smem:$0x3FBB] =	sst s10  }
0x32: {  	s10 =	sld [smem:$0x3FB9];
	_ =	sdelay $0x3  }
0x33: {  	p0 =	seq.s32 s10, $0x1;
	s10 =	sld [smem:$0x3FBB];
	_ =	sdelay $0x3  }
0x34: {  	[smem:$0x3FBB] =	sst s10  }
0x35: {  	s10 =	sld [smem:$0x3FBA];
	_ =	sdelay $0x3  }
0x36: {  	p1 =	seq.s32 s10, $0x1;
	s10 =	sld [smem:$0x3FBB];
	_ =	sdelay $0x3  }
0x37: {  	[smem:$0x3FBB] =	sst s10  }
0x38: {  	s10 =	sld [smem:$0x3FBC]  }
0x39: {  	_ = 	snop;
	(pc) =	sbr.ind lr, $3  }
0x3a: {  	_ = 	snop  }
0x3b: {  	_ = 	snop  }
0x3c: {  	p2 =	seq.s32 s10, $0x1;
	s10 =	sld [smem:$0x3FBB]  }
0x3d: {  	_ =	shalt  }
0x3e: {  	_ =	shalt  }
0x3f: {  	_ =	shalt  }
0x40: {  	_ =	shalt  }
0x41: {  	_ =	shalt  }
0x42: {  	_ =	shalt  }
0x43: {  	_ =	shalt  }
0x44: {  	_ =	shalt  }
0x45: {  	_ =	shalt  }
0x46: {  	_ =	shalt  }
0x47: {  	_ =	shalt  }
0x48: {  	_ =	shalt  }
0x49: {  	_ =	shalt  }
0x4a: {  	_ =	shalt  }
0x4b: {  	_ =	shalt  }
0x4c: {  	_ =	shalt  }
0x4d: {  	_ =	shalt  }
0x4e: {  	_ =	shalt  }
0x4f: {  	_ =	shalt  }
0x50: {  	_ =	shalt  }
0x51: {  	_ =	shalt  }
0x52: {  	_ =	shalt  }
0x53: {  	_ =	shalt  }
0x54: {  	_ =	shalt  }
0x55: {  	_ =	shalt  }
0x56: {  	_ =	shalt  }
0x57: {  	_ =	shalt  }
0x58: {  	_ =	shalt  }
0x59: {  	_ =	shalt  }
0x5a: {  	_ =	shalt  }
0x5b: {  	_ =	shalt  }
0x5c: {  	_ =	shalt  }
0x5d: {  	_ =	shalt  }
0x5e: {  	_ =	shalt  }
0x5f: {  	_ =	shalt  }
0x60: {  	_ =	shalt  }
0x61: {  	_ =	shalt  }
0x62: {  	_ =	shalt  }
0x63: {  	_ =	shalt  }
0x64: {  	_ =	shalt  }
0x65: {  	_ =	shalt  }
0x66: {  	_ =	shalt  }
0x67: {  	_ =	shalt  }
0x68: {  	_ =	shalt  }
0x69: {  	_ =	shalt  }
0x6a: {  	_ =	shalt  }
0x6b: {  	_ =	shalt  }
0x6c: {  	_ =	shalt  }
0x6d: {  	_ =	shalt  }
0x6e: {  	_ =	shalt  }
0x6f: {  	_ =	shalt  }
0x70: {  	_ =	shalt  }
0x71: {  	_ =	shalt  }
0x72: {  	_ =	shalt  }
0x73: {  	_ =	shalt  }
0x74: {  	_ =	shalt  }
0x75: {  	_ =	shalt  }
0x76: {  	_ =	shalt  }
0x77: {  	_ =	shalt  }
0x78: {  	_ =	shalt  }
0x79: {  	_ =	shalt  }
0x7a: {  	_ =	shalt  }
0x7b: {  	_ =	shalt  }
0x7c: {  	_ =	shalt  }
0x7d: {  	_ =	shalt  }
0x7e: {  	_ =	shalt  }
0x7f: {  	_ =	shalt  }
0x80: {  	_ =	shalt  }
0x81: {  	_ =	shalt  }
0x82: {  	_ =	shalt  }
0x83: {  	_ =	shalt  }
0x84: {  	_ =	shalt  }
0x85: {  	_ =	shalt  }
0x86: {  	_ =	shalt  }
0x87: {  	_ =	shalt  }
.Lfunc_end0:
.L_simem_size_0:
called_computation_lowered:
.L_overlay_start_0:
0x88: {  	s2 =	sld [smem:$0x3FD9]  }
0x89: {  	s3 =	sld [smem:$0x3FFE];
	_ =	sdelay $0x1  }
0x8a: {  	s1 =	srdreg.scid  }
0x8b: {  	s0 =	sand.u32 $0x1, s1  }
0x8c: {  	s17 =	sshll.u32 s0, $0xA;
	s2 =	sadd.s32 s3, s2  }
0x8d: {  	s2 =	sadd.s32 s2, s17  }
0x8e: {  	[smem:$0x3FC7] =	sst s2  }
0x8f: {  	_ = 	snop  }
0x90: {  	s2 =	sld [smem:$0x3FD0];
	(tm) =	ssettm $0x1  }
0x91: {  	s18 =	sld [smem:$0x3FFB];
	_ =	sdelay $0x3  }
0x92: {  	_ =	strace s18  }
0x93: {  	s3 =	sld [smem:$0x3FFC];
	_ =	sdelay $0x3  }
0x94: {  	_ =	strace s3  }
0x95: {  	s3 =	sld [smem:$0x3FFD];
	_ =	sdelay $0x3  }
0x96: {  	_ =	strace s3  }
0x97: {  	_ =	strace $0x8FFFFFFF  }
0x98: {  	s19 =	sld [smem:$0x3FDB];
	_ =	sdelay $0x1  }
0x99: {  	s4 =	simm.s32 $_scs_section_size  }
0x9a: {  	s5 =	simm.s32 $_size__tile_overlayer_lowered;
	s6 =	simm.s32 $_tile_overlayer_lowered  }
0x9b: {  	s22 =	simm.s32 $0x1BFF;
	s21 =	sshll.u32 s6, $0x1;
	s3 =	sadd.s32 s4, s19  }
0x9c: {  	s7 =	simm.s32 $0x0;
	s20 =	sshll.u32 s5, $0x1;
	s5 =	sadd.s32 s21, s3  }
0x9d: {  	[timem:s7], [sflag:s22] =	dma.local [hbm:s5], s20  }
0x9e: {  	_ =	swait.ge [sflag:s22], s20  }
0x9f: {  	s4 =	ssub.s32 $0x0, s20;
	[sflag:s22] =	ssyncset.done $0x0  }
0xa0: {  	[sflag:s22] =	ssyncadd.s32 s4;
	_ =	sdelay $0x1  }
0xa1: {  	s23 =	simm.s32 $0x1B8B  }
0xa2: {  	_ =	swait.ge [sflag:s23], $0x1  }
0xa3: {  	[sflag:s23] =	ssyncset.done $0x0  }
0xa4: {  	s25 =	simm.s32 $0x1B8E;
	s24 =	sld [smem:$0x3FFE];
	[sflag:s23] =	ssyncadd.s32 $0xFFFFFFFF  }
0xa5: {  	s26 =	simm.s32 $execute0_lowered;
	[smem:$0x3FD2] =	sst s25  }
0xa6: {  	s5 =	sshll.u32 s26, $0x1;
	_ =	strace $0x80000046;
	[dreg:$0x1] =	wrdreg $0xFFFFFFFF  }
0xa7: {  	s28 =	simm.s32 $_size_execute0_lowered;
	s3 =	sadd.s32 s3, s5;
	[dreg:$0x0] =	wrdreg $0x0  }
0xa8: {  	s5 =	sshll.u32 s28, $0x1;
	[dreg:$0x2] =	wrdreg s3  }
0xa9: {  	[dreg:$0x3] =	wrdreg s5  }
0xaa: {  	[dreg:$0x4] =	wrdreg $0xC0  }
0xab: {  	_ =	task [dreg:s7], $0x5FFFF  }
0xac: {  	[dreg:$0x1] =	wrdreg $0xFFFFFFFF  }
0xad: {  	[dreg:$0x0] =	wrdreg $0x60  }
0xae: {  	[dreg:$0x2] =	wrdreg s24  }
0xaf: {  	[dreg:$0x3] =	wrdreg s2  }
0xb0: {  	[dreg:$0x4] =	wrdreg $0x42000  }
0xb1: {  	[dreg:$0x5] =	wrdreg $0x9  }
0xb2: {  	_ =	task.clear_ibuf [dreg:s7], $0x6FFFF;
	_ =	strace $0x90000046  }
0xb3: {  	s29 =	simm.s32 $0x9;
	_ =	strace $0x80000048  }
0xb4: {  	_ =	swait.ge [sflag:s29], $0x1  }
0xb5: {  	[sflag:s29] =	ssyncadd.s32 $0xFFFFFFFF  }
0xb6: {  	_ =	strace $0x90000048  }
0xb7: {  	_ =	sfence  }
0xb8: {  	s30 =	sld [smem:$0x0];
	_ =	sdelay $0x2  }
0xb9: {  	s31 =	sshll.u32 s1, $0xD;
	s1 =	sshrl.u32 s1, $0x2  }
0xba: {  	s3 =	sand.u32 $0x4000, s31;
	s1 =	sadd.s32 s1, s30  }
0xbb: {  	s0 =	sor.u32 s3, s0;
	s1 =	sshll.u32 s1, $0x11  }
0xbc: {  	s0 =	sor.u32 s1, s0  }
0xbd: {  	s0 =	sadd.s32 $0x8F2B, s0  }
0xbe: {  	[sflag:s0] =	ssyncadd.remote.s32 $0x1  }
0xbf: {  	_ =	sfence.sel $0xFFFF  }
0xc0: {  	[dreg:$0x0] =	wrdreg $0xFFFFFFFF;
	(pc) =	sbr.abs _section_cstart, $3  }
0xc1: {  	[dreg:$0x1] =	wrdreg $0xFFFFFFFF  }
0xc2: {  	_ =	task.clear_ibuf [dreg:s7], $0x2FFFF;
	_ =	strace $0x9FFFFFFF  }
0xc3: {  	(tm) =	ssettm $0x7FFFFFFF  }
tec
execute0_lowered:
.L_overlay_start_1:
0x0: {  	(tag) =	ssettag $0x1  }
0x1: {  	s0 =	rddreg [dreg:$0x0]  }
0x2: {  	s7 =	rddreg [dreg:$0x1]  }
0x3: {  	s1 =	rddreg [dreg:$0x2];
	s21 =	stileid.u32  }
0x4: {  	s2 =	simm.s32 $0x0;
	s3 =	srdreg.scid;
	s6 =	smul.u32 $0x27, s21  }
0x5: {  	s10 =	simm.s32 $0x1;
	s28 =	simm.s32 $0x3;
	s9 =	smul.u32 $0x50000, s21  }
0x6: {  	s29 =	simm.s32 $0x4;
	[smem:$0x7FF] =	sst s2;
	s11 =	smul.u32 $0x2800, s21  }
0x7: {  	s8 =	sand.u32 $0x1, s3;
	s0 =	sadd.s32 $0x400, s0;
	s12 =	smul.u32 $0x14000, s21  }
0x8: {  	p0 =	sne.s32 s21, $0x0;
	p1 =	seq.s32 s21, $0x0;
	s15 =	smul.u32 $0x270, s21  }
0x9: {  	s21 =	simm.s32 $0x80;
	s4 =	ssub.s32 $0x2, s8;
	s10 =	simm.s32 @!p0 $0x0  }
0xa: {  	_ =	strace $0x80000047;
	s5 =	sshrl.u32 s4, $0x1;
	s22 =	sadd.s32 s10, s6  }
0xb: {  	s24 =	sshrl.u32 s9, $0x2;
	s9 =	sadd.s32 s7, s11;
	s25 =	sshrl.u32 s12, $0x3  }
0xc: {  	s31 =	sshll.u32 s10, $0x4;
	s13 =	ssub.s32 s4, s5;
	s4 =	simm.s32 $0x28  }
0xd: {  	s6 =	sshll.u32 s22, $0x4;
	s5 =	simm.s32 $0x1;
	s7 =	sadd.s32 s7, s25  }
0xe: {  	s22 =	simm.s32 $0x200;
	s25 =	simm.s32 $0x2;
	s4 =	simm.s32 @!p1 $0x27  }
0xf: {  	s6 =	sadd.s32 s0, s6;
	p1 =	seq.s32 s8, $0x1;
	s8 =	sadd.s32 s24, s1  }
0x10: {  	s12 =	sadd.s32 $0x28000, s7;
	s13 =	smax.u32 s13, $0x1;
	s0 =	sadd.s32 s15, s0  }
0x11: {  	s24 =	simm.s32 $0x100;
	s23 =	sadd.s32 $0x10, s6;
	s26 =	sadd.s32 $0x2710, s6  }
.Ltmp0:
0x12: {  	s30 =	sadd.s32 $0x2720, s6;
	s14 =	sadd.s32 $0x4000, s8;
	(pc) =	sbr.rel .LBB2_1-.Ltmp0, $4  }
0x13: {  	s15 =	sadd.s32 $0x8000, s8;
	s16 =	sadd.s32 $0xC000, s8;
	[dreg:$0x4] =	wrdreg s23  }
0x14: {  	s0 =	sadd.s32 s31, s0;
	s17 =	sadd.s32 $0x10000, s8;
	[dreg:$0x5] =	wrdreg s26  }
0x15: {  	s7 =	sadd.s32 $0x2730, s6;
	s10 =	sadd.s32 $0x2740, s6;
	[dreg:$0x6] =	wrdreg s30  }
0x16: {  	v0 =	vimm.f32 $0.0e+00;
	v1 =	vimm.f32 $1.000000000e+00;
	s18 =	sadd.s32 $0x20, s0;
	s23 =	simm.s32 $0x5;
	s26 =	simm.s32 $0x180  }
.LBB2_18:
0x17: {  	v2 =	vld [tilespmem:$0x80]  }
0x18: {  	v3 =	vld [tilespmem:$0x90]  }
0x19: {  	v4 =	vld [tilespmem:$0xA0]  }
0x1a: {  	v5 =	vld [tilespmem:$0xB0]  }
0x1b: {  	v6 =	vld [tilespmem:$0xC0]  }
0x1c: {  	v63 =	vld [tilespmem:$0xF0];
	[tilespmem:$0x180] =	vst v2  }
0x1d: {  	v2 =	vld [tilespmem:$0xD0];
	[tilespmem:$0x190] =	vst v3  }
0x1e: {  	v3 =	vld [tilespmem:$0xE0];
	[tilespmem:$0x1A0] =	vst v4  }
0x1f: {  	[tilespmem:$0x1B0] =	vst v5  }
0x20: {  	[tilespmem:$0x1C0] =	vst v6  }
0x21: {  	[tilespmem:$0x1F0] =	vst v63  }
0x22: {  	[tilespmem:$0x1D0] =	vst v2  }
0x23: {  	[tilespmem:$0x1E0] =	vst v3  }
0x24: {  	_ =	swait.ge [sflag:s29], $0x4000  }
0x25: {  	[sflag:s29] =	ssyncset.done $0x0  }
0x26: {  	[sflag:s29] =	ssyncadd.s32 $0xFFFFC000  }
0x27: {  	[spmem:s1] =	stream.indirect.scatter.add.f32 [tilespmem:s22], [sflag:$0x4], $0x80, s26, s21, $0xb8;
	[tilespmem:$0x18200] =	vst v63  }
.LBB2_19:
0x28: {  	_ =	swait.ge [sflag:s28], $0x4000  }
0x29: {  	[sflag:s28] =	ssyncset.done $0x0  }
0x2a: {  	[sflag:s28] =	ssyncadd.s32 $0xFFFFC000  }
0x2b: {  	s3 =	stileid.u32;
	_ =	swait.ge [sflag:s29], $0x4000  }
0x2c: {  	s11 =	sshrl.u32 s8, $0x3;
	s2 =	sadd.s32 $0x1, s2;
	[sflag:s29] =	ssyncset.done $0x0  }
0x2d: {  	s3 =	sshll.u32 s3, $0x6;
	p2 =	sne.s32 s2, s13;
	[sflag:s29] =	ssyncadd.s32 $0xFFFFC000  }
.Ltmp1:
0x2e: {  	s3 =	sor.u32 $0x1C05, s3;
	[bflag:$0x0] =	sbarrier.arrive $0xFFFF;
	(pc) =	sbr.rel @!p2 .LBB2_20-.Ltmp1, $4  }
0x2f: {  	[hbm:s0], [sflag:s3] =	dma.local [spmem:s11], $0x2800  }
0x30: {  	_ =	swait.ge [sflag:s23], $0x2800  }
0x31: {  	[sflag:s23] =	ssyncset.done $0x0  }
0x32: {  	[sflag:s23] =	ssyncadd.s32 $0xFFFFD800  }
.LBB2_1:
.Ltmp2:
0x33: {  	(pc) =	sbr.rel @!p1 .LBB2_2-.Ltmp2, $2  }
0x34: {  	_ =	sdelay $0x2  }
0x35: {  	s0 =	simm.s32 $0x0  }
0x36: {  	s3 =	rddreg [dreg:$0x5]  }
0x37: {  	[tilespmem:s0], [sflag:$0x1] =	stream.linear.gather [hbm4b:s3+s0], $0x80, $0x38;
	[tilespmem:$0x18200] =	vst v63  }
0x38: {  	s31 =	rddreg [dreg:$0x6]  }
0x39: {  	[tilespmem:s21], [sflag:$0x2] =	stream.linear.gather [hbm4b:s31+s0], $0x80, $0x38;
	[tilespmem:$0x18200] =	vst v63  }
0x3a: {  	s19 =	simm.s32 $0x200;
	s0 =	simm.s32 $0x0  }
.LBB2_11:
0x3b: {  	p2 =	seq.s32 s19, $0xFE00;
	[tilespmem:s0+$0x270] =	vst v0  }
0x3c: {  	[tilespmem:s0+$0x200] =	vst v0  }
0x3d: {  	[tilespmem:s0+$0x210] =	vst v0  }
.Ltmp3:
0x3e: {  	[tilespmem:s0+$0x220] =	vst v0;
	(pc) =	sbr.rel @!p2 .LBB2_11-.Ltmp3, $4  }
0x3f: {  	[tilespmem:s0+$0x230] =	vst v0  }
0x40: {  	[tilespmem:s0+$0x240] =	vst v0  }
0x41: {  	[tilespmem:s0+$0x250] =	vst v0  }
0x42: {  	[tilespmem:s0+$0x260] =	vst v0;
	s0 =	sshra.s32 s19, $0x2;
	s19 =	sadd.s32 $0x200, s19  }
0x43: {  	[tilespmem:s0+$0x270] =	vst v0  }
0x44: {  	[tilespmem:s0+$0x200] =	vst v0  }
0x45: {  	[tilespmem:s0+$0x210] =	vst v0  }
0x46: {  	[tilespmem:s0+$0x220] =	vst v0  }
0x47: {  	[tilespmem:s0+$0x230] =	vst v0  }
0x48: {  	[tilespmem:s0+$0x240] =	vst v0  }
0x49: {  	[tilespmem:s0+$0x250] =	vst v0  }
0x4a: {  	[tilespmem:s0+$0x260] =	vst v0  }
0x4b: {  	[spmem:s8] =	stream.linear.scatter [tilespmem:s22], [sflag:$0x5], $0x4000, $0x38;
	[tilespmem:$0x18200] =	vst v63  }
0x4c: {  	_ =	swait.ge [sflag:s23], $0x4000  }
0x4d: {  	[sflag:s23] =	ssyncset.done $0x0  }
0x4e: {  	[sflag:s23] =	ssyncadd.s32 $0xFFFFC000  }
0x4f: {  	[spmem:s14] =	stream.linear.scatter [tilespmem:s22], [sflag:$0x5], $0x4000, $0x38;
	[tilespmem:$0x18200] =	vst v63  }
0x50: {  	_ =	swait.ge [sflag:s23], $0x4000  }
0x51: {  	[sflag:s23] =	ssyncset.done $0x0  }
0x52: {  	[sflag:s23] =	ssyncadd.s32 $0xFFFFC000  }
0x53: {  	[spmem:s15] =	stream.linear.scatter [tilespmem:s22], [sflag:$0x5], $0x4000, $0x38;
	[tilespmem:$0x18200] =	vst v63  }
0x54: {  	_ =	swait.ge [sflag:s23], $0x4000  }
0x55: {  	[sflag:s23] =	ssyncset.done $0x0  }
0x56: {  	[sflag:s23] =	ssyncadd.s32 $0xFFFFC000  }
0x57: {  	[spmem:s16] =	stream.linear.scatter [tilespmem:s22], [sflag:$0x5], $0x4000, $0x38;
	[tilespmem:$0x18200] =	vst v63  }
0x58: {  	_ =	swait.ge [sflag:s23], $0x4000  }
0x59: {  	[sflag:s23] =	ssyncset.done $0x0  }
0x5a: {  	[sflag:s23] =	ssyncadd.s32 $0xFFFFC000  }
0x5b: {  	[spmem:s17] =	stream.linear.scatter [tilespmem:s22], [sflag:$0x5], $0x4000, $0x38;
	[tilespmem:$0x18200] =	vst v63  }
0x5c: {  	_ =	swait.ge [sflag:s23], $0x4000  }
0x5d: {  	[sflag:s23] =	ssyncset.done $0x0  }
0x5e: {  	[sflag:s23] =	ssyncadd.s32 $0xFFFFC000  }
0x5f: {  	s0 =	simm.s32 $0x0;
	s19 =	simm.s32 $0x200;
	[bflag:$0x0] =	sbarrier.arrive $0xFFFF  }
.LBB2_13:
0x60: {  	p2 =	sne.s32 s19, $0xFE00;
	[tilespmem:s0+$0x270] =	vst v1  }
0x61: {  	[tilespmem:s0+$0x200] =	vst v1  }
0x62: {  	[tilespmem:s0+$0x210] =	vst v1  }
.Ltmp4:
0x63: {  	[tilespmem:s0+$0x220] =	vst v1;
	(pc) =	sbr.rel @p2 .LBB2_13-.Ltmp4, $4  }
0x64: {  	[tilespmem:s0+$0x230] =	vst v1  }
0x65: {  	[tilespmem:s0+$0x240] =	vst v1  }
0x66: {  	[tilespmem:s0+$0x250] =	vst v1  }
0x67: {  	[tilespmem:s0+$0x260] =	vst v1;
	s0 =	sshra.s32 s19, $0x2;
	s19 =	sadd.s32 $0x200, s19  }
0x68: {  	[tilespmem:s0+$0x270] =	vst v1  }
0x69: {  	[tilespmem:s0+$0x200] =	vst v1  }
0x6a: {  	[tilespmem:s0+$0x210] =	vst v1  }
0x6b: {  	[tilespmem:s0+$0x220] =	vst v1  }
0x6c: {  	[tilespmem:s0+$0x230] =	vst v1  }
0x6d: {  	[tilespmem:s0+$0x240] =	vst v1  }
0x6e: {  	[tilespmem:s0+$0x250] =	vst v1  }
0x6f: {  	[tilespmem:s0+$0x260] =	vst v1  }
0x70: {  	_ =	swait.ge [sflag:s5], $0x80  }
0x71: {  	[sflag:s5] =	ssyncset.done $0x0  }
0x72: {  	[sflag:s5] =	ssyncadd.s32 $0xFFFFFF80  }
0x73: {  	v2 =	vld [tilespmem:$0x70]  }
0x74: {  	v3 =	vld [tilespmem:$0x50]  }
0x75: {  	v4 =	vld [tilespmem:$0x60]  }
0x76: {  	v5 =	vld [tilespmem:$0x30]  }
0x77: {  	v6 =	vld [tilespmem:$0x40]  }
0x78: {  	v7 =	vld [tilespmem:$0x0];
	[tilespmem:$0x170] =	vst v2  }
0x79: {  	v2 =	vld [tilespmem:$0x20];
	[tilespmem:$0x150] =	vst v3  }
0x7a: {  	v3 =	vld [tilespmem:$0x10];
	[tilespmem:$0x160] =	vst v4  }
0x7b: {  	[tilespmem:$0x130] =	vst v5  }
0x7c: {  	[tilespmem:$0x140] =	vst v6  }
0x7d: {  	[tilespmem:$0x100] =	vst v7  }
0x7e: {  	p2 =	por $0x1, $0x1;
	[tilespmem:$0x120] =	vst v2  }
0x7f: {  	s0 =	simm.s32 @!p2 $0x3;
	[tilespmem:$0x110] =	vst v3  }
0x80: {  	_ =	swait.ge @!p2 [sflag:s0], $0x4000  }
0x81: {  	[sflag:s0] =	ssyncset.done @!p2 $0x0  }
0x82: {  	p3 =	sle.u32 s4, $0x2;
	[sflag:s0] =	ssyncadd.s32 @!p2 $0xFFFFC000  }
0x83: {  	[spmem:s1] =	stream.indirect.scatter.add.f32 [tilespmem:s22], [sflag:$0x3], $0x80, s24, s21, $0xb8;
	[tilespmem:$0x18200] =	vst v63  }
0x84: {  	s0 =	simm.s32 @!p3 $0x0  }
0x85: {  	[tilespmem:s0], [sflag:$0x1] =	stream.linear.gather @!p3 [hbm4b:s7+s0], $0x80, $0x38;
	[tilespmem:$0x18200] =	vst v63  }
0x86: {  	s30 =	simm.s32 $0x3;
	_ =	swait.ge [sflag:s25], $0x80  }
0x87: {  	s19 =	smov.u32 s7;
	s20 =	smov.u32 s10;
	[sflag:s25] =	ssyncset.done $0x0  }
0x88: {  	s31 =	smov.u32 s10;
	s0 =	simm.s32 $0x5;
	[sflag:s25] =	ssyncadd.s32 $0xFFFFFF80  }
.LBB2_15:
0x89: {  	s19 =	sadd.s32 $0x20, s19  }
0x8a: {  	v2 =	vld [tilespmem:$0xF0];
	s20 =	sadd.s32 $0x20, s20;
	s11 =	smov.u32 s0;
	s0 =	sadd.s32 $0x2, s0  }
0x8b: {  	p3 =	sne.s32 s0, $0x29;
	v3 =	vld [tilespmem:$0xE0]  }
0x8c: {  	v4 =	vld [tilespmem:$0xD0]  }
0x8d: {  	v5 =	vld [tilespmem:$0xC0]  }
0x8e: {  	v6 =	vld [tilespmem:$0xB0]  }
0x8f: {  	v7 =	vld [tilespmem:$0xA0];
	[tilespmem:$0x1F0] =	vst v2  }
0x90: {  	v2 =	vld [tilespmem:$0x90];
	[tilespmem:$0x1E0] =	vst v3  }
0x91: {  	v3 =	vld [tilespmem:$0x80];
	[tilespmem:$0x1D0] =	vst v4  }
0x92: {  	[tilespmem:$0x1C0] =	vst v5  }
0x93: {  	[tilespmem:$0x1B0] =	vst v6  }
0x94: {  	[tilespmem:$0x1A0] =	vst v7  }
0x95: {  	[tilespmem:$0x190] =	vst v2  }
0x96: {  	s3 =	simm.s32 @!p2 $0x4;
	[tilespmem:$0x180] =	vst v3  }
0x97: {  	_ =	swait.ge @!p2 [sflag:s3], $0x4000  }
0x98: {  	[sflag:s3] =	ssyncset.done @!p2 $0x0  }
0x99: {  	[sflag:s3] =	ssyncadd.s32 @!p2 $0xFFFFC000;
	p2 =	sge.u32 s30, s4;
	s30 =	smov.u32 s11  }
0x9a: {  	[spmem:s1] =	stream.indirect.scatter.add.f32 [tilespmem:s22], [sflag:$0x4], $0x80, s26, s21, $0xb8;
	[tilespmem:$0x18200] =	vst v63  }
0x9b: {  	s3 =	simm.s32 @!p2 $0x0;
	s11 =	simm.s32 @!p2 $0x80  }
0x9c: {  	[tilespmem:s11], [sflag:$0x2] =	stream.linear.gather @!p2 [hbm4b:s31+s3], $0x80, $0x38;
	[tilespmem:$0x18200] =	vst v63  }
0x9d: {  	s31 =	smov.u32 s20;
	_ =	swait.ge [sflag:s5], $0x80  }
0x9e: {  	[sflag:s5] =	ssyncset.done $0x0  }
0x9f: {  	[sflag:s5] =	ssyncadd.s32 $0xFFFFFF80  }
0xa0: {  	v2 =	vld [tilespmem:$0x70]  }
0xa1: {  	v3 =	vld [tilespmem:$0x50]  }
0xa2: {  	v4 =	vld [tilespmem:$0x60]  }
0xa3: {  	v5 =	vld [tilespmem:$0x30]  }
0xa4: {  	v6 =	vld [tilespmem:$0x40]  }
0xa5: {  	v7 =	vld [tilespmem:$0x0];
	[tilespmem:$0x170] =	vst v2  }
0xa6: {  	v2 =	vld [tilespmem:$0x20];
	[tilespmem:$0x150] =	vst v3  }
0xa7: {  	p2 =	seq.s32 s30, $0x3;
	v3 =	vld [tilespmem:$0x10];
	[tilespmem:$0x160] =	vst v4  }
0xa8: {  	s3 =	simm.s32 @!p2 $0x3;
	[tilespmem:$0x130] =	vst v5  }
0xa9: {  	[tilespmem:$0x140] =	vst v6  }
0xaa: {  	[tilespmem:$0x100] =	vst v7  }
0xab: {  	s11 =	sadd.s32 $0xFFFFFFFF, s30;
	[tilespmem:$0x120] =	vst v2  }
0xac: {  	[tilespmem:$0x110] =	vst v3  }
0xad: {  	p4 =	sge.u32 s11, s4;
	_ =	swait.ge @!p2 [sflag:s3], $0x4000  }
0xae: {  	s11 =	simm.s32 @!p4 $0x0;
	[sflag:s3] =	ssyncset.done @!p2 $0x0  }
0xaf: {  	[sflag:s3] =	ssyncadd.s32 @!p2 $0xFFFFC000  }
0xb0: {  	[spmem:s1] =	stream.indirect.scatter.add.f32 [tilespmem:s22], [sflag:$0x3], $0x80, s24, s21, $0xb8;
	[tilespmem:$0x18200] =	vst v63  }
.Ltmp5:
0xb1: {  	(pc) =	sbr.rel @p3 .LBB2_15-.Ltmp5, $4  }
0xb2: {  	[tilespmem:s11], [sflag:$0x1] =	stream.linear.gather @!p4 [hbm4b:s19+s11], $0x80, $0x38;
	[tilespmem:$0x18200] =	vst v63  }
0xb3: {  	_ =	swait.ge [sflag:s25], $0x80  }
0xb4: {  	[sflag:s25] =	ssyncset.done $0x0  }
0xb5: {  	[sflag:s25] =	ssyncadd.s32 $0xFFFFFF80  }
0xb6: {  	v2 =	vld [tilespmem:$0xF0]  }
0xb7: {  	v3 =	vld [tilespmem:$0xE0]  }
0xb8: {  	v4 =	vld [tilespmem:$0xD0]  }
0xb9: {  	v5 =	vld [tilespmem:$0xC0]  }
0xba: {  	v6 =	vld [tilespmem:$0xB0]  }
0xbb: {  	v7 =	vld [tilespmem:$0xA0];
	[tilespmem:$0x1F0] =	vst v2  }
0xbc: {  	v2 =	vld [tilespmem:$0x90];
	[tilespmem:$0x1E0] =	vst v3  }
0xbd: {  	v3 =	vld [tilespmem:$0x80];
	[tilespmem:$0x1D0] =	vst v4  }
0xbe: {  	[tilespmem:$0x1C0] =	vst v5  }
0xbf: {  	[tilespmem:$0x1B0] =	vst v6  }
0xc0: {  	[tilespmem:$0x1A0] =	vst v7  }
0xc1: {  	[tilespmem:$0x190] =	vst v2  }
0xc2: {  	s0 =	simm.s32 @!p2 $0x4;
	[tilespmem:$0x180] =	vst v3  }
0xc3: {  	_ =	swait.ge @!p2 [sflag:s0], $0x4000  }
0xc4: {  	[sflag:s0] =	ssyncset.done @!p2 $0x0  }
0xc5: {  	[sflag:s0] =	ssyncadd.s32 @!p2 $0xFFFFC000;
	p2 =	sge.u32 s30, s4  }
0xc6: {  	[spmem:s1] =	stream.indirect.scatter.add.f32 [tilespmem:s22], [sflag:$0x4], $0x80, s26, s21, $0xb8;
	[tilespmem:$0x18200] =	vst v63  }
0xc7: {  	s0 =	simm.s32 @!p2 $0x0;
	s3 =	simm.s32 @!p2 $0x80  }
0xc8: {  	[tilespmem:s3], [sflag:$0x2] =	stream.linear.gather @!p2 [hbm4b:s31+s0], $0x80, $0x38;
	[tilespmem:$0x18200] =	vst v63  }
0xc9: {  	_ =	swait.ge [sflag:s5], $0x80  }
0xca: {  	[sflag:s5] =	ssyncset.done $0x0  }
0xcb: {  	[sflag:s5] =	ssyncadd.s32 $0xFFFFFF80  }
0xcc: {  	v2 =	vld [tilespmem:$0x0]  }
0xcd: {  	v3 =	vld [tilespmem:$0x10]  }
0xce: {  	v60 =	vld [tilespmem:$0x20]  }
0xcf: {  	v61 =	vld [tilespmem:$0x30]  }
0xd0: {  	v62 =	vld [tilespmem:$0x40]  }
0xd1: {  	v63 =	vld [tilespmem:$0x70];
	[tilespmem:$0x100] =	vst v2  }
0xd2: {  	v2 =	vld [tilespmem:$0x50];
	[tilespmem:$0x110] =	vst v3  }
0xd3: {  	v3 =	vld [tilespmem:$0x60];
	[tilespmem:$0x120] =	vst v60  }
0xd4: {  	[tilespmem:$0x130] =	vst v61  }
0xd5: {  	[tilespmem:$0x140] =	vst v62  }
0xd6: {  	[tilespmem:$0x170] =	vst v63  }
0xd7: {  	[tilespmem:$0x150] =	vst v2  }
.Ltmp6:
0xd8: {  	[tilespmem:$0x160] =	vst v3;
	(pc) =	sbr.rel @p0 .LBB2_19-.Ltmp6, $4  }
0xd9: {  	_ =	swait.ge [sflag:s28], $0x4000  }
0xda: {  	[sflag:s28] =	ssyncset.done $0x0  }
0xdb: {  	s0 =	smov.u32 s12;
	[sflag:s28] =	ssyncadd.s32 $0xFFFFC000  }
0xdc: {  	[spmem:s1] =	stream.indirect.scatter.add.f32 [tilespmem:s22], [sflag:$0x3], $0x80, s24, s21, $0xb8;
	[tilespmem:$0x18200] =	vst v63  }
.Ltmp7:
0xdd: {  	(pc) =	sbr.rel .LBB2_18-.Ltmp7, $4  }
0xde: {  	_ = 	snop  }
0xdf: {  	_ =	swait.ge [sflag:s25], $0x80  }
0xe0: {  	[sflag:s25] =	ssyncset.done $0x0  }
0xe1: {  	s0 =	smov.u32 s12;
	[sflag:s25] =	ssyncadd.s32 $0xFFFFFF80  }
.LBB2_2:
0xe2: {  	[tilespmem:s0], [sflag:$0x1] =	stream.linear.gather [hbm4b:s6+s0], $0x80, $0x38;
	[tilespmem:$0x18200] =	vst v63  }
0xe3: {  	s3 =	rddreg [dreg:$0x4]  }
0xe4: {  	[tilespmem:s21], [sflag:$0x2] =	stream.linear.gather [hbm4b:s3+s0], $0x80, $0x38;
	[tilespmem:$0x18200] =	vst v63  }
0xe5: {  	s19 =	simm.s32 $0x200;
	s0 =	simm.s32 $0x0  }
.LBB2_3:
0xe6: {  	p2 =	seq.s32 s19, $0xFE00;
	[tilespmem:s0+$0x270] =	vst v0  }
0xe7: {  	[tilespmem:s0+$0x200] =	vst v0  }
0xe8: {  	[tilespmem:s0+$0x210] =	vst v0  }
.Ltmp8:
0xe9: {  	[tilespmem:s0+$0x220] =	vst v0;
	(pc) =	sbr.rel @!p2 .LBB2_3-.Ltmp8, $4  }
0xea: {  	[tilespmem:s0+$0x230] =	vst v0  }
0xeb: {  	[tilespmem:s0+$0x240] =	vst v0  }
0xec: {  	[tilespmem:s0+$0x250] =	vst v0  }
0xed: {  	[tilespmem:s0+$0x260] =	vst v0;
	s0 =	sshra.s32 s19, $0x2;
	s19 =	sadd.s32 $0x200, s19  }
0xee: {  	[tilespmem:s0+$0x270] =	vst v0  }
0xef: {  	[tilespmem:s0+$0x200] =	vst v0  }
0xf0: {  	[tilespmem:s0+$0x210] =	vst v0  }
0xf1: {  	[tilespmem:s0+$0x220] =	vst v0  }
0xf2: {  	[tilespmem:s0+$0x230] =	vst v0  }
0xf3: {  	[tilespmem:s0+$0x240] =	vst v0  }
0xf4: {  	[tilespmem:s0+$0x250] =	vst v0  }
0xf5: {  	[tilespmem:s0+$0x260] =	vst v0  }
0xf6: {  	[spmem:s8] =	stream.linear.scatter [tilespmem:s22], [sflag:$0x5], $0x4000, $0x38;
	[tilespmem:$0x18200] =	vst v63  }
0xf7: {  	_ =	swait.ge [sflag:s23], $0x4000  }
0xf8: {  	[sflag:s23] =	ssyncset.done $0x0  }
0xf9: {  	[sflag:s23] =	ssyncadd.s32 $0xFFFFC000  }
0xfa: {  	[spmem:s14] =	stream.linear.scatter [tilespmem:s22], [sflag:$0x5], $0x4000, $0x38;
	[tilespmem:$0x18200] =	vst v63  }
0xfb: {  	_ =	swait.ge [sflag:s23], $0x4000  }
0xfc: {  	[sflag:s23] =	ssyncset.done $0x0  }
0xfd: {  	[sflag:s23] =	ssyncadd.s32 $0xFFFFC000  }
0xfe: {  	[spmem:s15] =	stream.linear.scatter [tilespmem:s22], [sflag:$0x5], $0x4000, $0x38;
	[tilespmem:$0x18200] =	vst v63  }
0xff: {  	_ =	swait.ge [sflag:s23], $0x4000  }
0x100: {  	[sflag:s23] =	ssyncset.done $0x0  }
0x101: {  	[sflag:s23] =	ssyncadd.s32 $0xFFFFC000  }
0x102: {  	[spmem:s16] =	stream.linear.scatter [tilespmem:s22], [sflag:$0x5], $0x4000, $0x38;
	[tilespmem:$0x18200] =	vst v63  }
0x103: {  	_ =	swait.ge [sflag:s23], $0x4000  }
0x104: {  	[sflag:s23] =	ssyncset.done $0x0  }
0x105: {  	[sflag:s23] =	ssyncadd.s32 $0xFFFFC000  }
0x106: {  	[spmem:s17] =	stream.linear.scatter [tilespmem:s22], [sflag:$0x5], $0x4000, $0x38;
	[tilespmem:$0x18200] =	vst v63  }
0x107: {  	_ =	swait.ge [sflag:s23], $0x4000  }
0x108: {  	[sflag:s23] =	ssyncset.done $0x0  }
0x109: {  	[sflag:s23] =	ssyncadd.s32 $0xFFFFC000  }
0x10a: {  	s0 =	simm.s32 $0x0;
	s19 =	simm.s32 $0x200;
	[bflag:$0x0] =	sbarrier.arrive $0xFFFF  }
.LBB2_5:
0x10b: {  	p2 =	sne.s32 s19, $0xFE00;
	[tilespmem:s0+$0x270] =	vst v1  }
0x10c: {  	[tilespmem:s0+$0x200] =	vst v1  }
0x10d: {  	[tilespmem:s0+$0x210] =	vst v1  }
.Ltmp9:
0x10e: {  	[tilespmem:s0+$0x220] =	vst v1;
	(pc) =	sbr.rel @p2 .LBB2_5-.Ltmp9, $4  }
0x10f: {  	[tilespmem:s0+$0x230] =	vst v1  }
0x110: {  	[tilespmem:s0+$0x240] =	vst v1  }
0x111: {  	[tilespmem:s0+$0x250] =	vst v1  }
0x112: {  	[tilespmem:s0+$0x260] =	vst v1;
	s0 =	sshra.s32 s19, $0x2;
	s19 =	sadd.s32 $0x200, s19  }
0x113: {  	[tilespmem:s0+$0x270] =	vst v1  }
0x114: {  	[tilespmem:s0+$0x200] =	vst v1  }
0x115: {  	[tilespmem:s0+$0x210] =	vst v1  }
0x116: {  	[tilespmem:s0+$0x220] =	vst v1  }
0x117: {  	[tilespmem:s0+$0x230] =	vst v1  }
0x118: {  	[tilespmem:s0+$0x240] =	vst v1  }
0x119: {  	[tilespmem:s0+$0x250] =	vst v1  }
0x11a: {  	[tilespmem:s0+$0x260] =	vst v1  }
0x11b: {  	_ =	swait.ge [sflag:s5], $0x80  }
0x11c: {  	[sflag:s5] =	ssyncset.done $0x0  }
0x11d: {  	[sflag:s5] =	ssyncadd.s32 $0xFFFFFF80  }
0x11e: {  	v2 =	vld [tilespmem:$0x70]  }
0x11f: {  	v3 =	vld [tilespmem:$0x50]  }
0x120: {  	v4 =	vld [tilespmem:$0x60]  }
0x121: {  	v5 =	vld [tilespmem:$0x30]  }
0x122: {  	v6 =	vld [tilespmem:$0x40]  }
0x123: {  	v7 =	vld [tilespmem:$0x0];
	[tilespmem:$0x170] =	vst v2  }
0x124: {  	v2 =	vld [tilespmem:$0x20];
	[tilespmem:$0x150] =	vst v3  }
0x125: {  	v3 =	vld [tilespmem:$0x10];
	[tilespmem:$0x160] =	vst v4  }
0x126: {  	[tilespmem:$0x130] =	vst v5  }
0x127: {  	[tilespmem:$0x140] =	vst v6  }
0x128: {  	[tilespmem:$0x100] =	vst v7  }
0x129: {  	p2 =	por $0x1, $0x1;
	[tilespmem:$0x120] =	vst v2  }
0x12a: {  	s0 =	simm.s32 @!p2 $0x3;
	[tilespmem:$0x110] =	vst v3  }
0x12b: {  	_ =	swait.ge @!p2 [sflag:s0], $0x4000  }
0x12c: {  	[sflag:s0] =	ssyncset.done @!p2 $0x0  }
0x12d: {  	p3 =	sle.u32 s4, $0x2;
	[sflag:s0] =	ssyncadd.s32 @!p2 $0xFFFFC000  }
0x12e: {  	[spmem:s1] =	stream.indirect.scatter.add.f32 [tilespmem:s22], [sflag:$0x3], $0x80, s24, s21, $0xb8;
	[tilespmem:$0x18200] =	vst v63  }
0x12f: {  	s0 =	simm.s32 @!p3 $0x0  }
0x130: {  	[tilespmem:s0], [sflag:$0x1] =	stream.linear.gather @!p3 [hbm4b:s18+s0], $0x80, $0x38;
	[tilespmem:$0x18200] =	vst v63  }
0x131: {  	_ =	swait.ge [sflag:s25], $0x80  }
0x132: {  	s30 =	simm.s32 $0x3;
	s19 =	smov.u32 s18;
	[sflag:s25] =	ssyncset.done $0x0  }
0x133: {  	s31 =	smov.u32 s18;
	s0 =	simm.s32 $0x5;
	[sflag:s25] =	ssyncadd.s32 $0xFFFFFF80  }
.LBB2_7:
0x134: {  	v2 =	vld [tilespmem:$0xF0];
	s19 =	sadd.s32 $0x20, s19;
	s20 =	smov.u32 s0;
	s0 =	sadd.s32 $0x2, s0  }
0x135: {  	p3 =	sne.s32 s0, $0x29;
	v3 =	vld [tilespmem:$0xE0]  }
0x136: {  	v4 =	vld [tilespmem:$0xD0]  }
0x137: {  	v5 =	vld [tilespmem:$0xC0]  }
0x138: {  	v6 =	vld [tilespmem:$0xB0]  }
0x139: {  	v7 =	vld [tilespmem:$0xA0];
	[tilespmem:$0x1F0] =	vst v2  }
0x13a: {  	v2 =	vld [tilespmem:$0x90];
	[tilespmem:$0x1E0] =	vst v3  }
0x13b: {  	v3 =	vld [tilespmem:$0x80];
	[tilespmem:$0x1D0] =	vst v4  }
0x13c: {  	[tilespmem:$0x1C0] =	vst v5  }
0x13d: {  	[tilespmem:$0x1B0] =	vst v6  }
0x13e: {  	[tilespmem:$0x1A0] =	vst v7  }
0x13f: {  	[tilespmem:$0x190] =	vst v2  }
0x140: {  	s11 =	simm.s32 @!p2 $0x4;
	[tilespmem:$0x180] =	vst v3  }
0x141: {  	_ =	swait.ge @!p2 [sflag:s11], $0x4000  }
0x142: {  	[sflag:s11] =	ssyncset.done @!p2 $0x0  }
0x143: {  	[sflag:s11] =	ssyncadd.s32 @!p2 $0xFFFFC000;
	p2 =	sge.u32 s30, s4;
	s30 =	smov.u32 s20  }
0x144: {  	[spmem:s1] =	stream.indirect.scatter.add.f32 [tilespmem:s22], [sflag:$0x4], $0x80, s26, s21, $0xb8;
	[tilespmem:$0x18200] =	vst v63  }
0x145: {  	s11 =	sadd.s32 @!p2 $0x10, s31;
	s20 =	simm.s32 @!p2 $0x0;
	s31 =	simm.s32 @!p2 $0x80  }
0x146: {  	[tilespmem:s31], [sflag:$0x2] =	stream.linear.gather @!p2 [hbm4b:s11+s20], $0x80, $0x38;
	[tilespmem:$0x18200] =	vst v63  }
0x147: {  	s31 =	smov.u32 s19;
	_ =	swait.ge [sflag:s5], $0x80  }
0x148: {  	[sflag:s5] =	ssyncset.done $0x0  }
0x149: {  	[sflag:s5] =	ssyncadd.s32 $0xFFFFFF80  }
0x14a: {  	v2 =	vld [tilespmem:$0x70]  }
0x14b: {  	v3 =	vld [tilespmem:$0x50]  }
0x14c: {  	v4 =	vld [tilespmem:$0x60]  }
0x14d: {  	v5 =	vld [tilespmem:$0x30]  }
0x14e: {  	v6 =	vld [tilespmem:$0x40]  }
0x14f: {  	v7 =	vld [tilespmem:$0x0];
	[tilespmem:$0x170] =	vst v2  }
0x150: {  	v2 =	vld [tilespmem:$0x20];
	[tilespmem:$0x150] =	vst v3  }
0x151: {  	p2 =	seq.s32 s30, $0x3;
	v3 =	vld [tilespmem:$0x10];
	[tilespmem:$0x160] =	vst v4  }
0x152: {  	s11 =	simm.s32 @!p2 $0x3;
	[tilespmem:$0x130] =	vst v5  }
0x153: {  	[tilespmem:$0x140] =	vst v6  }
0x154: {  	[tilespmem:$0x100] =	vst v7  }
0x155: {  	s20 =	sadd.s32 $0xFFFFFFFF, s30;
	[tilespmem:$0x120] =	vst v2  }
0x156: {  	[tilespmem:$0x110] =	vst v3  }
0x157: {  	p4 =	sge.u32 s20, s4;
	_ =	swait.ge @!p2 [sflag:s11], $0x4000  }
0x158: {  	s20 =	simm.s32 @!p4 $0x0;
	[sflag:s11] =	ssyncset.done @!p2 $0x0  }
0x159: {  	[sflag:s11] =	ssyncadd.s32 @!p2 $0xFFFFC000  }
0x15a: {  	[spmem:s1] =	stream.indirect.scatter.add.f32 [tilespmem:s22], [sflag:$0x3], $0x80, s24, s21, $0xb8;
	[tilespmem:$0x18200] =	vst v63  }
.Ltmp10:
0x15b: {  	(pc) =	sbr.rel @p3 .LBB2_7-.Ltmp10, $4  }
0x15c: {  	[tilespmem:s20], [sflag:$0x1] =	stream.linear.gather @!p4 [hbm4b:s19+s20], $0x80, $0x38;
	[tilespmem:$0x18200] =	vst v63  }
0x15d: {  	_ =	swait.ge [sflag:s25], $0x80  }
0x15e: {  	[sflag:s25] =	ssyncset.done $0x0  }
0x15f: {  	[sflag:s25] =	ssyncadd.s32 $0xFFFFFF80  }
0x160: {  	v2 =	vld [tilespmem:$0xF0]  }
0x161: {  	v3 =	vld [tilespmem:$0xE0]  }
0x162: {  	v4 =	vld [tilespmem:$0xD0]  }
0x163: {  	v5 =	vld [tilespmem:$0xC0]  }
0x164: {  	v6 =	vld [tilespmem:$0xB0]  }
0x165: {  	v7 =	vld [tilespmem:$0xA0];
	[tilespmem:$0x1F0] =	vst v2  }
0x166: {  	v2 =	vld [tilespmem:$0x90];
	[tilespmem:$0x1E0] =	vst v3  }
0x167: {  	v3 =	vld [tilespmem:$0x80];
	[tilespmem:$0x1D0] =	vst v4  }
0x168: {  	[tilespmem:$0x1C0] =	vst v5  }
0x169: {  	[tilespmem:$0x1B0] =	vst v6  }
0x16a: {  	[tilespmem:$0x1A0] =	vst v7  }
0x16b: {  	[tilespmem:$0x190] =	vst v2  }
0x16c: {  	s0 =	simm.s32 @!p2 $0x4;
	[tilespmem:$0x180] =	vst v3  }
0x16d: {  	_ =	swait.ge @!p2 [sflag:s0], $0x4000  }
0x16e: {  	[sflag:s0] =	ssyncset.done @!p2 $0x0  }
0x16f: {  	[sflag:s0] =	ssyncadd.s32 @!p2 $0xFFFFC000;
	p2 =	sge.u32 s30, s4  }
0x170: {  	[spmem:s1] =	stream.indirect.scatter.add.f32 [tilespmem:s22], [sflag:$0x4], $0x80, s26, s21, $0xb8;
	[tilespmem:$0x18200] =	vst v63  }
0x171: {  	s0 =	sadd.s32 @!p2 $0x10, s31;
	s11 =	simm.s32 @!p2 $0x0;
	s19 =	simm.s32 @!p2 $0x80  }
0x172: {  	[tilespmem:s19], [sflag:$0x2] =	stream.linear.gather @!p2 [hbm4b:s0+s11], $0x80, $0x38;
	[tilespmem:$0x18200] =	vst v63  }
0x173: {  	_ =	swait.ge [sflag:s5], $0x80  }
0x174: {  	[sflag:s5] =	ssyncset.done $0x0  }
0x175: {  	[sflag:s5] =	ssyncadd.s32 $0xFFFFFF80  }
0x176: {  	v2 =	vld [tilespmem:$0x0]  }
0x177: {  	v3 =	vld [tilespmem:$0x10]  }
0x178: {  	v60 =	vld [tilespmem:$0x20]  }
0x179: {  	v61 =	vld [tilespmem:$0x30]  }
0x17a: {  	v62 =	vld [tilespmem:$0x40]  }
0x17b: {  	v63 =	vld [tilespmem:$0x70];
	[tilespmem:$0x100] =	vst v2  }
0x17c: {  	v2 =	vld [tilespmem:$0x50];
	[tilespmem:$0x110] =	vst v3  }
0x17d: {  	v3 =	vld [tilespmem:$0x60];
	[tilespmem:$0x120] =	vst v60  }
0x17e: {  	[tilespmem:$0x130] =	vst v61  }
0x17f: {  	[tilespmem:$0x140] =	vst v62  }
0x180: {  	[tilespmem:$0x170] =	vst v63  }
0x181: {  	[tilespmem:$0x150] =	vst v2  }
.Ltmp11:
0x182: {  	[tilespmem:$0x160] =	vst v3;
	(pc) =	sbr.rel @p0 .LBB2_19-.Ltmp11, $4  }
0x183: {  	_ =	swait.ge [sflag:s28], $0x4000  }
0x184: {  	[sflag:s28] =	ssyncset.done $0x0  }
0x185: {  	s0 =	smov.u32 s9;
	[sflag:s28] =	ssyncadd.s32 $0xFFFFC000  }
0x186: {  	[spmem:s1] =	stream.indirect.scatter.add.f32 [tilespmem:s22], [sflag:$0x3], $0x80, s24, s21, $0xb8;
	[tilespmem:$0x18200] =	vst v63  }
.Ltmp12:
0x187: {  	(pc) =	sbr.rel .LBB2_18-.Ltmp12, $4  }
0x188: {  	_ = 	snop  }
0x189: {  	_ =	swait.ge [sflag:s25], $0x80  }
0x18a: {  	[sflag:s25] =	ssyncset.done $0x0  }
0x18b: {  	s0 =	smov.u32 s9;
	[sflag:s25] =	ssyncadd.s32 $0xFFFFFF80  }
.LBB2_20:
0x18c: {  	_ =	sfence.sel $0x180000  }
0x18d: {  	[bflag:$0x0] =	sbarrier.arrive $0xFFFF  }
0x18e: {  	_ =	strace $0x90000047  }
0x18f: {  	[bflag:$0x2] =	sbarrier.arrive $0xFFFF  }
0x190: {  	s0 =	rddreg [dreg:$0x3]  }
0x191: {  	s0 =	sadd.s32 @!p0 $0x100000, s0  }
0x192: {  	[sflag:s0] =	ssyncadd.tile.s32 @!p0 $0x1;
	_ =	shalt  }
.Lfunc_end2:
_tile_overlayer_lowered:
.L_overlay_start_2:
0x193: {  	(tag) =	ssettag $0x2  }
0x194: {  	s0 =	rddreg [dreg:$0x0];
	s2 =	stileid.u32  }
0x195: {  	s1 =	rddreg [dreg:$0x1];
	p0 =	sne.s32 s2, $0x0  }
0x196: {  	s3 =	rddreg [dreg:$0x2];
	[bflag:$0x3] =	sbarrier.arrive $0xFFFF;
	s2 =	simm.s32 @!p0 $0x1C05  }
0x197: {  	[timem:s3], [sflag:s2] =	dma.local @!p0 [hbm:s0], s1  }
0x198: {  	s0 =	simm.s32 @!p0 $0x5  }
0x199: {  	_ =	swait.ge @!p0 [sflag:s0], s1  }
0x19a: {  	s1 =	ssub.s32 @!p0 $0x0, s1;
	[sflag:s0] =	ssyncset.done @!p0 $0x0  }
0x19b: {  	[sflag:s0] =	ssyncadd.s32 @!p0 s1  }
0x19c: {  	[bflag:$0x3] =	sbarrier.arrive $0xFFFF  }
0x19d: {  	_ =	shalt  }

</sc_bundles>
